<compile_context>
chip_gen: v7x
topology: tpu7x:2x2x1
jax: 0.10.2.dev20260603
libtpu: 0.0.44.dev20260713+nightly
codegen_flags: <defaults>
</compile_context>

<pallas_src>
import functools
import math

import jax
import jax.numpy as jnp
from jax import lax
from jax.experimental import pallas as pl
from jax.experimental.pallas import tpu as pltpu
from jax.experimental.pallas import tpu_sc as plsc

_NC = 2
_NS = 16
_NW = _NC * _NS

_CHUNK = 64


@functools.lru_cache(maxsize=None)
def _make_sc_gather(vocab, emb, n_idx, tok0, n_tok):
    n_per_w = n_tok // _NW
    ch = 128 if n_per_w % 128 == 0 else _CHUNK
    assert n_tok % (_NW * ch) == 0 and tok0 % 8 == 0
    n_ch = n_per_w // ch
    assert n_per_w * emb * 4 <= 480 * 1024
    mesh = plsc.VectorSubcoreMesh(core_axis_name="c", subcore_axis_name="s")

    @functools.partial(
        pl.kernel,
        mesh=mesh,
        out_type=jax.ShapeDtypeStruct((n_tok, emb), jnp.float32),
        compiler_params=pltpu.CompilerParams(use_tc_tiling_on_sc=True),
        scratch_types=[
            pltpu.VMEM((n_per_w,), jnp.int32),
            pltpu.VMEM((n_per_w, emb), jnp.float32),
            pltpu.SemaphoreType.DMA,
            pltpu.SemaphoreType.DMA,
            pltpu.SemaphoreType.DMA,
        ],
    )
    def gather_kernel(table_hbm, idx_hbm, out_hbm, idx_v, rows_v, sa, sb, sw):
        wid = lax.axis_index("s") * _NC + lax.axis_index("c")
        base = wid * n_per_w
        pltpu.sync_copy(idx_hbm.at[pl.ds(tok0 + base, n_per_w)], idx_v)
        half = (n_ch // 2) * ch
        waves = []
        for lo, hi, sem in ((0, half, sa), (half, n_per_w, sb)):
            cps = []
            for off in range(lo, hi, ch):
                cps.append(
                    pltpu.async_copy(
                        table_hbm.at[idx_v.at[pl.ds(off, ch)]],
                        rows_v.at[pl.ds(off, ch)],
                        sem,
                    )
                )
            waves.append(cps)
        writes = []
        for (lo, hi, _), cps in zip(
            ((0, half, sa), (half, n_per_w, sb)), waves
        ):
            for cp in cps:
                cp.wait()
            if hi > lo:
                writes.append(
                    pltpu.async_copy(
                        rows_v.at[pl.ds(lo, hi - lo)],
                        out_hbm.at[pl.ds(base + lo, hi - lo)],
                        sw,
                    )
                )
        for wcp in writes:
            wcp.wait()

    return gather_kernel


_PB = 2


@functools.lru_cache(maxsize=None)
def _make_tc_matmul(batch, seq, emb, hid, scale, l0, lc, aliased):
    pb = _PB if lc % _PB == 0 and l0 % _PB == 0 else 1
    grid = (lc // pb,)

    def compute(g_ref, pe_ref, w_ref, b_ref, o_ref):
        w = w_ref[...]
        bias = b_ref[...]
        g = g_ref[...] * scale
        for j in range(pb):
            a = (
                lax.slice(g, (j * batch, 0), ((j + 1) * batch, emb))
                + pe_ref[j]
            )
            o_ref[j] = (
                jnp.dot(a, w, preferred_element_type=jnp.float32) + bias
            )

    if aliased:

        def body(g_ref, pe_ref, w_ref, b_ref, _prev_ref, o_ref):
            compute(g_ref, pe_ref, w_ref, b_ref, o_ref)

    else:
        body = compute

    in_specs = [
        pl.BlockSpec((pb * batch, emb), lambda i: (i, 0)),
        pl.BlockSpec((pb, 1, emb), lambda i: (i + l0 // pb, 0, 0)),
        pl.BlockSpec((emb, hid), lambda i: (0, 0)),
        pl.BlockSpec((1, hid), lambda i: (0, 0)),
    ]
    if aliased:
        in_specs.append(pl.BlockSpec(memory_space=pl.ANY))
    return pl.pallas_call(
        body,
        grid=grid,
        in_specs=in_specs,
        out_specs=pl.BlockSpec((pb, batch, hid), lambda i: (i + l0 // pb, 0, 0)),
        out_shape=jax.ShapeDtypeStruct((seq, batch, hid), jnp.float32),
        input_output_aliases={4: 0} if aliased else {},
    )


_CHUNK_POS = (2, 8, 14, 26)


def kernel(x, tok_emb, fc_w, fc_b, pe):
    b, l = x.shape
    vocab, emb = tok_emb.shape
    hid = fc_w.shape[1]
    n_tok = b * l
    scale = math.sqrt(emb)

    idx = x.T.reshape(n_tok)
    pe_t = pe[:, :l, :].transpose(1, 0, 2)
    bias = fc_b.reshape(1, hid)

    chunks = (
        _CHUNK_POS
        if sum(_CHUNK_POS) == l and all(c * b % (_NW * _CHUNK) == 0 for c in _CHUNK_POS)
        else (l,)
    )
    out_t = None
    l0 = 0
    for c, lc in enumerate(chunks):
        nc = lc * b
        g_c = _make_sc_gather(vocab, emb, n_tok, l0 * b, nc)(tok_emb, idx)
        mm = _make_tc_matmul(b, l, emb, hid, scale, l0, lc, c > 0)
        if c == 0:
            out_t = mm(g_c, pe_t, fc_w, bias)
        else:
            out_t = mm(g_c, pe_t, fc_w, bias, out_t)
        l0 += lc
    return out_t.transpose(1, 0, 2)

# --- scband reference (transcript-rebuilt; emitter-appended) ---
"""Pipeline reference for scband-embeddings-4861902979355 (READ-ONLY COPY).

The authoritative reference and input builder live on the scoring server;
editing this copy changes nothing except your own understanding.
"""

import jax, jax.numpy as jnp
import numpy as np
import math

VOCAB = 100000
EMB = 128
HID = 1024
FULL_LEN = 512
B = 1024
L = 50
SCALE = math.sqrt(EMB)


def make_pe():
    position = np.arange(FULL_LEN, dtype=np.float32)[:, None]
    div_term = np.exp(np.arange(0, EMB, 2, dtype=np.float32) * (-(math.log(10000.0) / EMB)))
    pe = np.zeros((FULL_LEN, EMB), dtype=np.float32)
    pe[:, 0::2] = np.sin(position * div_term)
    pe[:, 1::2] = np.cos(position * div_term)
    return jnp.asarray(pe[None])  # [1, FULL_LEN, EMB]


def setup_inputs(seed: int = 0) -> dict:
    key = jax.random.key(seed)
    k1, k2, k3, k4 = jax.random.split(key, 4)
    x = jax.random.randint(k1, (B, L), 0, VOCAB, dtype=jnp.int32)
    tok_emb = jax.random.normal(k2, (VOCAB, EMB), dtype=jnp.float32)
    fc_w = jax.random.normal(k3, (EMB, HID), dtype=jnp.float32) * (1.0 / math.sqrt(EMB))
    fc_b = jax.random.normal(k4, (HID,), dtype=jnp.float32) * 0.01
    pe = make_pe()
    return {"x": x, "tok_emb": tok_emb, "fc_w": fc_w, "fc_b": fc_b, "pe": pe}


def reference(x, tok_emb, fc_w, fc_b, pe):
    # token embedding lookup (gather) scaled by sqrt(emb_dim)
    out = jnp.take(tok_emb, x, axis=0) * SCALE  # [B, L, EMB]
    # positional encoding (buffer, sliced to seq len)
    out = out + pe[:, : x.shape[1]]
    # dropout_ratio = 0.0 -> identity (eval mode)
    # fc projection since emb_dim != hidden_dim
    out = jnp.dot(out, fc_w) + fc_b  # [B, L, HID]
    return out

if __name__ == "__main__":
    import jax
    _d = setup_inputs()
    print(jax.jit(kernel)(*tuple(_d.values())))

</pallas_src>

<mosaic_0001>
#map = affine_map<(d0, d1) -> (0, 0)>
#map1 = affine_map<(d0, d1) -> (0)>
module attributes {stable_mosaic.version = 14 : i64} {
  func.func @gather_kernel(%arg0: i32, %arg1: i32, %arg2: memref<100000x128xf32, #tpu.memory_space<hbm>>, %arg3: memref<51200xi32, #tpu.memory_space<hbm>>, %arg4: memref<14336x128xf32, #tpu.memory_space<hbm>>, %arg5: memref<448xi32, #tpu.memory_space<vmem>>, %arg6: memref<448x128xf32, #tpu.memory_space<vmem>>, %arg7: memref<!tpu.dma_semaphore, #tpu.memory_space<semaphore_mem>>, %arg8: memref<!tpu.dma_semaphore, #tpu.memory_space<semaphore_mem>>, %arg9: memref<!tpu.dma_semaphore, #tpu.memory_space<semaphore_mem>>) attributes {dimension_semantics = [#tpu.dimension_semantics<core_parallel>, #tpu.dimension_semantics<subcore_parallel>], iteration_bounds = array<i64: 2, 16>, scalar_prefetch = 0 : i64, scratch_operands = 5 : i64, tpu.core_type = #tpu.core_type<sc_vector_subcore>, window_params = [{transform_indices = #map}, {transform_indices = #map1}, {transform_indices = #map}]} {
    %mul3A = arith.constant 2 : i32
    %mul3A_0 = arith.muli %arg1, %mul3A : i32
    %add3A = arith.addi %mul3A_0, %arg0 : i32
    %mul3A_1 = arith.constant 448 : i32
    %mul3A_2 = arith.muli %add3A, %mul3A_1 : i32
    %add3A_3 = arith.constant 10240 : i32
    %add3A_4 = arith.addi %add3A_3, %mul3A_2 : i32
    "tpu.region"() ({
      %run_scoped3A = tpu.sem_alloc : memref<!tpu.dma_semaphore, #tpu.memory_space<semaphore_mem>>
      %dma_start3A_159 = tpu.memref_slice %arg3[%add3A_4] : memref<51200xi32, #tpu.memory_space<hbm>> -> memref<448xi32, #tpu.memory_space<hbm>>
      %dma_start3A_160 = tpu.memref_slice %arg3[%add3A_4] : memref<51200xi32, #tpu.memory_space<hbm>> -> memref<448xi32, #tpu.memory_space<hbm>>
      tpu.enqueue_dma source(%dma_start3A_160 : memref<448xi32, #tpu.memory_space<hbm>>) target(%arg5 : memref<448xi32, #tpu.memory_space<vmem>>) target_semaphore(%run_scoped3A : memref<!tpu.dma_semaphore, #tpu.memory_space<semaphore_mem>>)
      %dma_wait3A_161 = tpu.memref_slice %arg3[%add3A_4] : memref<51200xi32, #tpu.memory_space<hbm>> -> memref<448xi32, #tpu.memory_space<hbm>>
      %dma_wait3A_162 = tpu.memref_slice %arg3[%add3A_4] : memref<51200xi32, #tpu.memory_space<hbm>> -> memref<448xi32, #tpu.memory_space<hbm>>
      tpu.wait_dma2 semaphore(%run_scoped3A : memref<!tpu.dma_semaphore, #tpu.memory_space<semaphore_mem>>) src(%dma_wait3A_162 : memref<448xi32, #tpu.memory_space<hbm>>) dst(%arg5 : memref<448xi32, #tpu.memory_space<vmem>>)
      tpu.yield
    }) : () -> ()
    %dma_start3A = arith.constant 0 : i32
    %dma_start3A_5 = arith.constant 0 : i32
    %dma_start3A_6 = tpu.memref_slice %arg6[%dma_start3A, %dma_start3A_5] : memref<448x128xf32, #tpu.memory_space<vmem>> -> memref<64x128xf32, #tpu.memory_space<vmem>>
    %dma_start3A_7 = arith.constant 0 : i32
    %dma_start3A_8 = tpu.memref_slice %arg5[%dma_start3A_7] : memref<448xi32, #tpu.memory_space<vmem>> -> memref<64xi32, #tpu.memory_space<vmem>>
    %dma_start3A_9 = arith.constant 0 : i32
    %dma_start3A_10 = arith.constant 0 : i32
    %dma_start3A_11 = tpu.memref_slice %arg2[%dma_start3A_9, %dma_start3A_10] : memref<100000x128xf32, #tpu.memory_space<hbm>> -> memref<100000x128xf32, #tpu.memory_space<hbm>>
    tpu.enqueue_indirect_dma source(%dma_start3A_11 : memref<100000x128xf32, #tpu.memory_space<hbm>>) target(%dma_start3A_6 : memref<64x128xf32, #tpu.memory_space<vmem>>) offsets(%dma_start3A_8 : memref<64xi32, #tpu.memory_space<vmem>>) semaphore(%arg7 : memref<!tpu.dma_semaphore, #tpu.memory_space<semaphore_mem>>)
    %dma_start3A_12 = arith.constant 64 : i32
    %dma_start3A_13 = arith.constant 0 : i32
    %dma_start3A_14 = tpu.memref_slice %arg6[%dma_start3A_12, %dma_start3A_13] : memref<448x128xf32, #tpu.memory_space<vmem>> -> memref<64x128xf32, #tpu.memory_space<vmem>>
    %dma_start3A_15 = arith.constant 64 : i32
    %dma_start3A_16 = tpu.memref_slice %arg5[%dma_start3A_15] : memref<448xi32, #tpu.memory_space<vmem>> -> memref<64xi32, #tpu.memory_space<vmem>>
    %dma_start3A_17 = arith.constant 0 : i32
    %dma_start3A_18 = arith.constant 0 : i32
    %dma_start3A_19 = tpu.memref_slice %arg2[%dma_start3A_17, %dma_start3A_18] : memref<100000x128xf32, #tpu.memory_space<hbm>> -> memref<100000x128xf32, #tpu.memory_space<hbm>>
    tpu.enqueue_indirect_dma source(%dma_start3A_19 : memref<100000x128xf32, #tpu.memory_space<hbm>>) target(%dma_start3A_14 : memref<64x128xf32, #tpu.memory_space<vmem>>) offsets(%dma_start3A_16 : memref<64xi32, #tpu.memory_space<vmem>>) semaphore(%arg7 : memref<!tpu.dma_semaphore, #tpu.memory_space<semaphore_mem>>)
    %dma_start3A_20 = arith.constant 128 : i32
    %dma_start3A_21 = arith.constant 0 : i32
    %dma_start3A_22 = tpu.memref_slice %arg6[%dma_start3A_20, %dma_start3A_21] : memref<448x128xf32, #tpu.memory_space<vmem>> -> memref<64x128xf32, #tpu.memory_space<vmem>>
    %dma_start3A_23 = arith.constant 128 : i32
    %dma_start3A_24 = tpu.memref_slice %arg5[%dma_start3A_23] : memref<448xi32, #tpu.memory_space<vmem>> -> memref<64xi32, #tpu.memory_space<vmem>>
    %dma_start3A_25 = arith.constant 0 : i32
    %dma_start3A_26 = arith.constant 0 : i32
    %dma_start3A_27 = tpu.memref_slice %arg2[%dma_start3A_25, %dma_start3A_26] : memref<100000x128xf32, #tpu.memory_space<hbm>> -> memref<100000x128xf32, #tpu.memory_space<hbm>>
    tpu.enqueue_indirect_dma source(%dma_start3A_27 : memref<100000x128xf32, #tpu.memory_space<hbm>>) target(%dma_start3A_22 : memref<64x128xf32, #tpu.memory_space<vmem>>) offsets(%dma_start3A_24 : memref<64xi32, #tpu.memory_space<vmem>>) semaphore(%arg7 : memref<!tpu.dma_semaphore, #tpu.memory_space<semaphore_mem>>)
    %dma_start3A_28 = arith.constant 192 : i32
    %dma_start3A_29 = arith.constant 0 : i32
    %dma_start3A_30 = tpu.memref_slice %arg6[%dma_start3A_28, %dma_start3A_29] : memref<448x128xf32, #tpu.memory_space<vmem>> -> memref<64x128xf32, #tpu.memory_space<vmem>>
    %dma_start3A_31 = arith.constant 192 : i32
    %dma_start3A_32 = tpu.memref_slice %arg5[%dma_start3A_31] : memref<448xi32, #tpu.memory_space<vmem>> -> memref<64xi32, #tpu.memory_space<vmem>>
    %dma_start3A_33 = arith.constant 0 : i32
    %dma_start3A_34 = arith.constant 0 : i32
    %dma_start3A_35 = tpu.memref_slice %arg2[%dma_start3A_33, %dma_start3A_34] : memref<100000x128xf32, #tpu.memory_space<hbm>> -> memref<100000x128xf32, #tpu.memory_space<hbm>>
    tpu.enqueue_indirect_dma source(%dma_start3A_35 : memref<100000x128xf32, #tpu.memory_space<hbm>>) target(%dma_start3A_30 : memref<64x128xf32, #tpu.memory_space<vmem>>) offsets(%dma_start3A_32 : memref<64xi32, #tpu.memory_space<vmem>>) semaphore(%arg8 : memref<!tpu.dma_semaphore, #tpu.memory_space<semaphore_mem>>)
    %dma_start3A_36 = arith.constant 256 : i32
    %dma_start3A_37 = arith.constant 0 : i32
    %dma_start3A_38 = tpu.memref_slice %arg6[%dma_start3A_36, %dma_start3A_37] : memref<448x128xf32, #tpu.memory_space<vmem>> -> memref<64x128xf32, #tpu.memory_space<vmem>>
    %dma_start3A_39 = arith.constant 256 : i32
    %dma_start3A_40 = tpu.memref_slice %arg5[%dma_start3A_39] : memref<448xi32, #tpu.memory_space<vmem>> -> memref<64xi32, #tpu.memory_space<vmem>>
    %dma_start3A_41 = arith.constant 0 : i32
    %dma_start3A_42 = arith.constant 0 : i32
    %dma_start3A_43 = tpu.memref_slice %arg2[%dma_start3A_41, %dma_start3A_42] : memref<100000x128xf32, #tpu.memory_space<hbm>> -> memref<100000x128xf32, #tpu.memory_space<hbm>>
    tpu.enqueue_indirect_dma source(%dma_start3A_43 : memref<100000x128xf32, #tpu.memory_space<hbm>>) target(%dma_start3A_38 : memref<64x128xf32, #tpu.memory_space<vmem>>) offsets(%dma_start3A_40 : memref<64xi32, #tpu.memory_space<vmem>>) semaphore(%arg8 : memref<!tpu.dma_semaphore, #tpu.memory_space<semaphore_mem>>)
    %dma_start3A_44 = arith.constant 320 : i32
    %dma_start3A_45 = arith.constant 0 : i32
    %dma_start3A_46 = tpu.memref_slice %arg6[%dma_start3A_44, %dma_start3A_45] : memref<448x128xf32, #tpu.memory_space<vmem>> -> memref<64x128xf32, #tpu.memory_space<vmem>>
    %dma_start3A_47 = arith.constant 320 : i32
    %dma_start3A_48 = tpu.memref_slice %arg5[%dma_start3A_47] : memref<448xi32, #tpu.memory_space<vmem>> -> memref<64xi32, #tpu.memory_space<vmem>>
    %dma_start3A_49 = arith.constant 0 : i32
    %dma_start3A_50 = arith.constant 0 : i32
    %dma_start3A_51 = tpu.memref_slice %arg2[%dma_start3A_49, %dma_start3A_50] : memref<100000x128xf32, #tpu.memory_space<hbm>> -> memref<100000x128xf32, #tpu.memory_space<hbm>>
    tpu.enqueue_indirect_dma source(%dma_start3A_51 : memref<100000x128xf32, #tpu.memory_space<hbm>>) target(%dma_start3A_46 : memref<64x128xf32, #tpu.memory_space<vmem>>) offsets(%dma_start3A_48 : memref<64xi32, #tpu.memory_space<vmem>>) semaphore(%arg8 : memref<!tpu.dma_semaphore, #tpu.memory_space<semaphore_mem>>)
    %dma_start3A_52 = arith.constant 384 : i32
    %dma_start3A_53 = arith.constant 0 : i32
    %dma_start3A_54 = tpu.memref_slice %arg6[%dma_start3A_52, %dma_start3A_53] : memref<448x128xf32, #tpu.memory_space<vmem>> -> memref<64x128xf32, #tpu.memory_space<vmem>>
    %dma_start3A_55 = arith.constant 384 : i32
    %dma_start3A_56 = tpu.memref_slice %arg5[%dma_start3A_55] : memref<448xi32, #tpu.memory_space<vmem>> -> memref<64xi32, #tpu.memory_space<vmem>>
    %dma_start3A_57 = arith.constant 0 : i32
    %dma_start3A_58 = arith.constant 0 : i32
    %dma_start3A_59 = tpu.memref_slice %arg2[%dma_start3A_57, %dma_start3A_58] : memref<100000x128xf32, #tpu.memory_space<hbm>> -> memref<100000x128xf32, #tpu.memory_space<hbm>>
    tpu.enqueue_indirect_dma source(%dma_start3A_59 : memref<100000x128xf32, #tpu.memory_space<hbm>>) target(%dma_start3A_54 : memref<64x128xf32, #tpu.memory_space<vmem>>) offsets(%dma_start3A_56 : memref<64xi32, #tpu.memory_space<vmem>>) semaphore(%arg8 : memref<!tpu.dma_semaphore, #tpu.memory_space<semaphore_mem>>)
    %dma_wait3A = arith.constant 0 : i32
    %dma_wait3A_60 = arith.constant 0 : i32
    %dma_wait3A_61 = tpu.memref_slice %arg6[%dma_wait3A, %dma_wait3A_60] : memref<448x128xf32, #tpu.memory_space<vmem>> -> memref<64x128xf32, #tpu.memory_space<vmem>>
    %dma_wait3A_62 = arith.constant 0 : i32
    %dma_wait3A_63 = tpu.memref_slice %arg5[%dma_wait3A_62] : memref<448xi32, #tpu.memory_space<vmem>> -> memref<64xi32, #tpu.memory_space<vmem>>
    %dma_wait3A_64 = arith.constant 0 : i32
    %dma_wait3A_65 = arith.constant 0 : i32
    %dma_wait3A_66 = tpu.memref_slice %arg2[%dma_wait3A_64, %dma_wait3A_65] : memref<100000x128xf32, #tpu.memory_space<hbm>> -> memref<100000x128xf32, #tpu.memory_space<hbm>>
    tpu.wait_indirect_dma semaphore(%arg7 : memref<!tpu.dma_semaphore, #tpu.memory_space<semaphore_mem>>) src(%dma_wait3A_66 : memref<100000x128xf32, #tpu.memory_space<hbm>>) dst(%dma_wait3A_61 : memref<64x128xf32, #tpu.memory_space<vmem>>)
    %dma_wait3A_67 = arith.constant 64 : i32
    %dma_wait3A_68 = arith.constant 0 : i32
    %dma_wait3A_69 = tpu.memref_slice %arg6[%dma_wait3A_67, %dma_wait3A_68] : memref<448x128xf32, #tpu.memory_space<vmem>> -> memref<64x128xf32, #tpu.memory_space<vmem>>
    %dma_wait3A_70 = arith.constant 64 : i32
    %dma_wait3A_71 = tpu.memref_slice %arg5[%dma_wait3A_70] : memref<448xi32, #tpu.memory_space<vmem>> -> memref<64xi32, #tpu.memory_space<vmem>>
    %dma_wait3A_72 = arith.constant 0 : i32
    %dma_wait3A_73 = arith.constant 0 : i32
    %dma_wait3A_74 = tpu.memref_slice %arg2[%dma_wait3A_72, %dma_wait3A_73] : memref<100000x128xf32, #tpu.memory_space<hbm>> -> memref<100000x128xf32, #tpu.memory_space<hbm>>
    tpu.wait_indirect_dma semaphore(%arg7 : memref<!tpu.dma_semaphore, #tpu.memory_space<semaphore_mem>>) src(%dma_wait3A_74 : memref<100000x128xf32, #tpu.memory_space<hbm>>) dst(%dma_wait3A_69 : memref<64x128xf32, #tpu.memory_space<vmem>>)
    %dma_wait3A_75 = arith.constant 128 : i32
    %dma_wait3A_76 = arith.constant 0 : i32
    %dma_wait3A_77 = tpu.memref_slice %arg6[%dma_wait3A_75, %dma_wait3A_76] : memref<448x128xf32, #tpu.memory_space<vmem>> -> memref<64x128xf32, #tpu.memory_space<vmem>>
    %dma_wait3A_78 = arith.constant 128 : i32
    %dma_wait3A_79 = tpu.memref_slice %arg5[%dma_wait3A_78] : memref<448xi32, #tpu.memory_space<vmem>> -> memref<64xi32, #tpu.memory_space<vmem>>
    %dma_wait3A_80 = arith.constant 0 : i32
    %dma_wait3A_81 = arith.constant 0 : i32
    %dma_wait3A_82 = tpu.memref_slice %arg2[%dma_wait3A_80, %dma_wait3A_81] : memref<100000x128xf32, #tpu.memory_space<hbm>> -> memref<100000x128xf32, #tpu.memory_space<hbm>>
    tpu.wait_indirect_dma semaphore(%arg7 : memref<!tpu.dma_semaphore, #tpu.memory_space<semaphore_mem>>) src(%dma_wait3A_82 : memref<100000x128xf32, #tpu.memory_space<hbm>>) dst(%dma_wait3A_77 : memref<64x128xf32, #tpu.memory_space<vmem>>)
    %add3A_83 = arith.constant 0 : i32
    %add3A_84 = arith.addi %mul3A_2, %add3A_83 : i32
    %dma_start3A_85 = arith.constant 0 : i32
    %dma_start3A_86 = arith.constant 0 : i32
    %dma_start3A_87 = tpu.memref_slice %arg6[%dma_start3A_85, %dma_start3A_86] : memref<448x128xf32, #tpu.memory_space<vmem>> -> memref<192x128xf32, #tpu.memory_space<vmem>>
    %dma_start3A_88 = arith.constant 0 : i32
    %dma_start3A_89 = tpu.memref_slice %arg4[%add3A_84, %dma_start3A_88] : memref<14336x128xf32, #tpu.memory_space<hbm>> -> memref<192x128xf32, #tpu.memory_space<hbm>>
    %dma_start3A_90 = arith.constant 0 : i32
    %dma_start3A_91 = tpu.memref_slice %arg4[%add3A_84, %dma_start3A_90] : memref<14336x128xf32, #tpu.memory_space<hbm>> -> memref<192x128xf32, #tpu.memory_space<hbm>>
    %dma_start3A_92 = arith.constant 0 : i32
    %dma_start3A_93 = arith.constant 0 : i32
    %dma_start3A_94 = tpu.memref_slice %arg6[%dma_start3A_92, %dma_start3A_93] : memref<448x128xf32, #tpu.memory_space<vmem>> -> memref<192x128xf32, #tpu.memory_space<vmem>>
    tpu.enqueue_dma source(%dma_start3A_94 : memref<192x128xf32, #tpu.memory_space<vmem>>) target(%dma_start3A_91 : memref<192x128xf32, #tpu.memory_space<hbm>>) target_semaphore(%arg9 : memref<!tpu.dma_semaphore, #tpu.memory_space<semaphore_mem>>)
    %dma_wait3A_95 = arith.constant 192 : i32
    %dma_wait3A_96 = arith.constant 0 : i32
    %dma_wait3A_97 = tpu.memref_slice %arg6[%dma_wait3A_95, %dma_wait3A_96] : memref<448x128xf32, #tpu.memory_space<vmem>> -> memref<64x128xf32, #tpu.memory_space<vmem>>
    %dma_wait3A_98 = arith.constant 192 : i32
    %dma_wait3A_99 = tpu.memref_slice %arg5[%dma_wait3A_98] : memref<448xi32, #tpu.memory_space<vmem>> -> memref<64xi32, #tpu.memory_space<vmem>>
    %dma_wait3A_100 = arith.constant 0 : i32
    %dma_wait3A_101 = arith.constant 0 : i32
    %dma_wait3A_102 = tpu.memref_slice %arg2[%dma_wait3A_100, %dma_wait3A_101] : memref<100000x128xf32, #tpu.memory_space<hbm>> -> memref<100000x128xf32, #tpu.memory_space<hbm>>
    tpu.wait_indirect_dma semaphore(%arg8 : memref<!tpu.dma_semaphore, #tpu.memory_space<semaphore_mem>>) src(%dma_wait3A_102 : memref<100000x128xf32, #tpu.memory_space<hbm>>) dst(%dma_wait3A_97 : memref<64x128xf32, #tpu.memory_space<vmem>>)
    %dma_wait3A_103 = arith.constant 256 : i32
    %dma_wait3A_104 = arith.constant 0 : i32
    %dma_wait3A_105 = tpu.memref_slice %arg6[%dma_wait3A_103, %dma_wait3A_104] : memref<448x128xf32, #tpu.memory_space<vmem>> -> memref<64x128xf32, #tpu.memory_space<vmem>>
    %dma_wait3A_106 = arith.constant 256 : i32
    %dma_wait3A_107 = tpu.memref_slice %arg5[%dma_wait3A_106] : memref<448xi32, #tpu.memory_space<vmem>> -> memref<64xi32, #tpu.memory_space<vmem>>
    %dma_wait3A_108 = arith.constant 0 : i32
    %dma_wait3A_109 = arith.constant 0 : i32
    %dma_wait3A_110 = tpu.memref_slice %arg2[%dma_wait3A_108, %dma_wait3A_109] : memref<100000x128xf32, #tpu.memory_space<hbm>> -> memref<100000x128xf32, #tpu.memory_space<hbm>>
    tpu.wait_indirect_dma semaphore(%arg8 : memref<!tpu.dma_semaphore, #tpu.memory_space<semaphore_mem>>) src(%dma_wait3A_110 : memref<100000x128xf32, #tpu.memory_space<hbm>>) dst(%dma_wait3A_105 : memref<64x128xf32, #tpu.memory_space<vmem>>)
    %dma_wait3A_111 = arith.constant 320 : i32
    %dma_wait3A_112 = arith.constant 0 : i32
    %dma_wait3A_113 = tpu.memref_slice %arg6[%dma_wait3A_111, %dma_wait3A_112] : memref<448x128xf32, #tpu.memory_space<vmem>> -> memref<64x128xf32, #tpu.memory_space<vmem>>
    %dma_wait3A_114 = arith.constant 320 : i32
    %dma_wait3A_115 = tpu.memref_slice %arg5[%dma_wait3A_114] : memref<448xi32, #tpu.memory_space<vmem>> -> memref<64xi32, #tpu.memory_space<vmem>>
    %dma_wait3A_116 = arith.constant 0 : i32
    %dma_wait3A_117 = arith.constant 0 : i32
    %dma_wait3A_118 = tpu.memref_slice %arg2[%dma_wait3A_116, %dma_wait3A_117] : memref<100000x128xf32, #tpu.memory_space<hbm>> -> memref<100000x128xf32, #tpu.memory_space<hbm>>
    tpu.wait_indirect_dma semaphore(%arg8 : memref<!tpu.dma_semaphore, #tpu.memory_space<semaphore_mem>>) src(%dma_wait3A_118 : memref<100000x128xf32, #tpu.memory_space<hbm>>) dst(%dma_wait3A_113 : memref<64x128xf32, #tpu.memory_space<vmem>>)
    %dma_wait3A_119 = arith.constant 384 : i32
    %dma_wait3A_120 = arith.constant 0 : i32
    %dma_wait3A_121 = tpu.memref_slice %arg6[%dma_wait3A_119, %dma_wait3A_120] : memref<448x128xf32, #tpu.memory_space<vmem>> -> memref<64x128xf32, #tpu.memory_space<vmem>>
    %dma_wait3A_122 = arith.constant 384 : i32
    %dma_wait3A_123 = tpu.memref_slice %arg5[%dma_wait3A_122] : memref<448xi32, #tpu.memory_space<vmem>> -> memref<64xi32, #tpu.memory_space<vmem>>
    %dma_wait3A_124 = arith.constant 0 : i32
    %dma_wait3A_125 = arith.constant 0 : i32
    %dma_wait3A_126 = tpu.memref_slice %arg2[%dma_wait3A_124, %dma_wait3A_125] : memref<100000x128xf32, #tpu.memory_space<hbm>> -> memref<100000x128xf32, #tpu.memory_space<hbm>>
    tpu.wait_indirect_dma semaphore(%arg8 : memref<!tpu.dma_semaphore, #tpu.memory_space<semaphore_mem>>) src(%dma_wait3A_126 : memref<100000x128xf32, #tpu.memory_space<hbm>>) dst(%dma_wait3A_121 : memref<64x128xf32, #tpu.memory_space<vmem>>)
    %add3A_127 = arith.constant 192 : i32
    %add3A_128 = arith.addi %mul3A_2, %add3A_127 : i32
    %dma_start3A_129 = arith.constant 192 : i32
    %dma_start3A_130 = arith.constant 0 : i32
    %dma_start3A_131 = tpu.memref_slice %arg6[%dma_start3A_129, %dma_start3A_130] : memref<448x128xf32, #tpu.memory_space<vmem>> -> memref<256x128xf32, #tpu.memory_space<vmem>>
    %dma_start3A_132 = arith.constant 0 : i32
    %dma_start3A_133 = tpu.memref_slice %arg4[%add3A_128, %dma_start3A_132] : memref<14336x128xf32, #tpu.memory_space<hbm>> -> memref<256x128xf32, #tpu.memory_space<hbm>>
    %dma_start3A_134 = arith.constant 0 : i32
    %dma_start3A_135 = tpu.memref_slice %arg4[%add3A_128, %dma_start3A_134] : memref<14336x128xf32, #tpu.memory_space<hbm>> -> memref<256x128xf32, #tpu.memory_space<hbm>>
    %dma_start3A_136 = arith.constant 192 : i32
    %dma_start3A_137 = arith.constant 0 : i32
    %dma_start3A_138 = tpu.memref_slice %arg6[%dma_start3A_136, %dma_start3A_137] : memref<448x128xf32, #tpu.memory_space<vmem>> -> memref<256x128xf32, #tpu.memory_space<vmem>>
    tpu.enqueue_dma source(%dma_start3A_138 : memref<256x128xf32, #tpu.memory_space<vmem>>) target(%dma_start3A_135 : memref<256x128xf32, #tpu.memory_space<hbm>>) target_semaphore(%arg9 : memref<!tpu.dma_semaphore, #tpu.memory_space<semaphore_mem>>)
    %dma_wait3A_139 = arith.constant 0 : i32
    %dma_wait3A_140 = arith.constant 0 : i32
    %dma_wait3A_141 = tpu.memref_slice %arg6[%dma_wait3A_139, %dma_wait3A_140] : memref<448x128xf32, #tpu.memory_space<vmem>> -> memref<192x128xf32, #tpu.memory_space<vmem>>
    %dma_wait3A_142 = arith.constant 0 : i32
    %dma_wait3A_143 = tpu.memref_slice %arg4[%add3A_84, %dma_wait3A_142] : memref<14336x128xf32, #tpu.memory_space<hbm>> -> memref<192x128xf32, #tpu.memory_space<hbm>>
    %dma_wait3A_144 = arith.constant 0 : i32
    %dma_wait3A_145 = tpu.memref_slice %arg4[%add3A_84, %dma_wait3A_144] : memref<14336x128xf32, #tpu.memory_space<hbm>> -> memref<192x128xf32, #tpu.memory_space<hbm>>
    %dma_wait3A_146 = arith.constant 0 : i32
    %dma_wait3A_147 = arith.constant 0 : i32
    %dma_wait3A_148 = tpu.memref_slice %arg6[%dma_wait3A_146, %dma_wait3A_147] : memref<448x128xf32, #tpu.memory_space<vmem>> -> memref<192x128xf32, #tpu.memory_space<vmem>>
    tpu.wait_dma2 semaphore(%arg9 : memref<!tpu.dma_semaphore, #tpu.memory_space<semaphore_mem>>) src(%dma_wait3A_148 : memref<192x128xf32, #tpu.memory_space<vmem>>) dst(%dma_wait3A_145 : memref<192x128xf32, #tpu.memory_space<hbm>>)
    %dma_wait3A_149 = arith.constant 192 : i32
    %dma_wait3A_150 = arith.constant 0 : i32
    %dma_wait3A_151 = tpu.memref_slice %arg6[%dma_wait3A_149, %dma_wait3A_150] : memref<448x128xf32, #tpu.memory_space<vmem>> -> memref<256x128xf32, #tpu.memory_space<vmem>>
    %dma_wait3A_152 = arith.constant 0 : i32
    %dma_wait3A_153 = tpu.memref_slice %arg4[%add3A_128, %dma_wait3A_152] : memref<14336x128xf32, #tpu.memory_space<hbm>> -> memref<256x128xf32, #tpu.memory_space<hbm>>
    %dma_wait3A_154 = arith.constant 0 : i32
    %dma_wait3A_155 = tpu.memref_slice %arg4[%add3A_128, %dma_wait3A_154] : memref<14336x128xf32, #tpu.memory_space<hbm>> -> memref<256x128xf32, #tpu.memory_space<hbm>>
    %dma_wait3A_156 = arith.constant 192 : i32
    %dma_wait3A_157 = arith.constant 0 : i32
    %dma_wait3A_158 = tpu.memref_slice %arg6[%dma_wait3A_156, %dma_wait3A_157] : memref<448x128xf32, #tpu.memory_space<vmem>> -> memref<256x128xf32, #tpu.memory_space<vmem>>
    tpu.wait_dma2 semaphore(%arg9 : memref<!tpu.dma_semaphore, #tpu.memory_space<semaphore_mem>>) src(%dma_wait3A_158 : memref<256x128xf32, #tpu.memory_space<vmem>>) dst(%dma_wait3A_155 : memref<256x128xf32, #tpu.memory_space<hbm>>)
    return
  }
}

#map = affine_map<(d0, d1) -> (0, 0)>
#map1 = affine_map<(d0, d1) -> (0)>
module attributes {stable_mosaic.version = 14 : i64} {
  func.func @gather_kernel(%arg0: i32, %arg1: i32, %arg2: memref<100000x128xf32, #tpu.memory_space<hbm>>, %arg3: memref<51200xi32, #tpu.memory_space<hbm>>, %arg4: memref<26624x128xf32, #tpu.memory_space<hbm>>, %arg5: memref<832xi32, #tpu.memory_space<vmem>>, %arg6: memref<832x128xf32, #tpu.memory_space<vmem>>, %arg7: memref<!tpu.dma_semaphore, #tpu.memory_space<semaphore_mem>>, %arg8: memref<!tpu.dma_semaphore, #tpu.memory_space<semaphore_mem>>, %arg9: memref<!tpu.dma_semaphore, #tpu.memory_space<semaphore_mem>>) attributes {dimension_semantics = [#tpu.dimension_semantics<core_parallel>, #tpu.dimension_semantics<subcore_parallel>], iteration_bounds = array<i64: 2, 16>, scalar_prefetch = 0 : i64, scratch_operands = 5 : i64, tpu.core_type = #tpu.core_type<sc_vector_subcore>, window_params = [{transform_indices = #map}, {transform_indices = #map1}, {transform_indices = #map}]} {
    %mul3A = arith.constant 2 : i32
    %mul3A_0 = arith.muli %arg1, %mul3A : i32
    %add3A = arith.addi %mul3A_0, %arg0 : i32
    %mul3A_1 = arith.constant 832 : i32
    %mul3A_2 = arith.muli %add3A, %mul3A_1 : i32
    %add3A_3 = arith.constant 24576 : i32
    %add3A_4 = arith.addi %add3A_3, %mul3A_2 : i32
    "tpu.region"() ({
      %run_scoped3A = tpu.sem_alloc : memref<!tpu.dma_semaphore, #tpu.memory_space<semaphore_mem>>
      %dma_start3A_255 = tpu.memref_slice %arg3[%add3A_4] : memref<51200xi32, #tpu.memory_space<hbm>> -> memref<832xi32, #tpu.memory_space<hbm>>
      %dma_start3A_256 = tpu.memref_slice %arg3[%add3A_4] : memref<51200xi32, #tpu.memory_space<hbm>> -> memref<832xi32, #tpu.memory_space<hbm>>
      tpu.enqueue_dma source(%dma_start3A_256 : memref<832xi32, #tpu.memory_space<hbm>>) target(%arg5 : memref<832xi32, #tpu.memory_space<vmem>>) target_semaphore(%run_scoped3A : memref<!tpu.dma_semaphore, #tpu.memory_space<semaphore_mem>>)
      %dma_wait3A_257 = tpu.memref_slice %arg3[%add3A_4] : memref<51200xi32, #tpu.memory_space<hbm>> -> memref<832xi32, #tpu.memory_space<hbm>>
      %dma_wait3A_258 = tpu.memref_slice %arg3[%add3A_4] : memref<51200xi32, #tpu.memory_space<hbm>> -> memref<832xi32, #tpu.memory_space<hbm>>
      tpu.wait_dma2 semaphore(%run_scoped3A : memref<!tpu.dma_semaphore, #tpu.memory_space<semaphore_mem>>) src(%dma_wait3A_258 : memref<832xi32, #tpu.memory_space<hbm>>) dst(%arg5 : memref<832xi32, #tpu.memory_space<vmem>>)
      tpu.yield
    }) : () -> ()
    %dma_start3A = arith.constant 0 : i32
    %dma_start3A_5 = arith.constant 0 : i32
    %dma_start3A_6 = tpu.memref_slice %arg6[%dma_start3A, %dma_start3A_5] : memref<832x128xf32, #tpu.memory_space<vmem>> -> memref<64x128xf32, #tpu.memory_space<vmem>>
    %dma_start3A_7 = arith.constant 0 : i32
    %dma_start3A_8 = tpu.memref_slice %arg5[%dma_start3A_7] : memref<832xi32, #tpu.memory_space<vmem>> -> memref<64xi32, #tpu.memory_space<vmem>>
    %dma_start3A_9 = arith.constant 0 : i32
    %dma_start3A_10 = arith.constant 0 : i32
    %dma_start3A_11 = tpu.memref_slice %arg2[%dma_start3A_9, %dma_start3A_10] : memref<100000x128xf32, #tpu.memory_space<hbm>> -> memref<100000x128xf32, #tpu.memory_space<hbm>>
    tpu.enqueue_indirect_dma source(%dma_start3A_11 : memref<100000x128xf32, #tpu.memory_space<hbm>>) target(%dma_start3A_6 : memref<64x128xf32, #tpu.memory_space<vmem>>) offsets(%dma_start3A_8 : memref<64xi32, #tpu.memory_space<vmem>>) semaphore(%arg7 : memref<!tpu.dma_semaphore, #tpu.memory_space<semaphore_mem>>)
    %dma_start3A_12 = arith.constant 64 : i32
    %dma_start3A_13 = arith.constant 0 : i32
    %dma_start3A_14 = tpu.memref_slice %arg6[%dma_start3A_12, %dma_start3A_13] : memref<832x128xf32, #tpu.memory_space<vmem>> -> memref<64x128xf32, #tpu.memory_space<vmem>>
    %dma_start3A_15 = arith.constant 64 : i32
    %dma_start3A_16 = tpu.memref_slice %arg5[%dma_start3A_15] : memref<832xi32, #tpu.memory_space<vmem>> -> memref<64xi32, #tpu.memory_space<vmem>>
    %dma_start3A_17 = arith.constant 0 : i32
    %dma_start3A_18 = arith.constant 0 : i32
    %dma_start3A_19 = tpu.memref_slice %arg2[%dma_start3A_17, %dma_start3A_18] : memref<100000x128xf32, #tpu.memory_space<hbm>> -> memref<100000x128xf32, #tpu.memory_space<hbm>>
    tpu.enqueue_indirect_dma source(%dma_start3A_19 : memref<100000x128xf32, #tpu.memory_space<hbm>>) target(%dma_start3A_14 : memref<64x128xf32, #tpu.memory_space<vmem>>) offsets(%dma_start3A_16 : memref<64xi32, #tpu.memory_space<vmem>>) semaphore(%arg7 : memref<!tpu.dma_semaphore, #tpu.memory_space<semaphore_mem>>)
    %dma_start3A_20 = arith.constant 128 : i32
    %dma_start3A_21 = arith.constant 0 : i32
    %dma_start3A_22 = tpu.memref_slice %arg6[%dma_start3A_20, %dma_start3A_21] : memref<832x128xf32, #tpu.memory_space<vmem>> -> memref<64x128xf32, #tpu.memory_space<vmem>>
    %dma_start3A_23 = arith.constant 128 : i32
    %dma_start3A_24 = tpu.memref_slice %arg5[%dma_start3A_23] : memref<832xi32, #tpu.memory_space<vmem>> -> memref<64xi32, #tpu.memory_space<vmem>>
    %dma_start3A_25 = arith.constant 0 : i32
    %dma_start3A_26 = arith.constant 0 : i32
    %dma_start3A_27 = tpu.memref_slice %arg2[%dma_start3A_25, %dma_start3A_26] : memref<100000x128xf32, #tpu.memory_space<hbm>> -> memref<100000x128xf32, #tpu.memory_space<hbm>>
    tpu.enqueue_indirect_dma source(%dma_start3A_27 : memref<100000x128xf32, #tpu.memory_space<hbm>>) target(%dma_start3A_22 : memref<64x128xf32, #tpu.memory_space<vmem>>) offsets(%dma_start3A_24 : memref<64xi32, #tpu.memory_space<vmem>>) semaphore(%arg7 : memref<!tpu.dma_semaphore, #tpu.memory_space<semaphore_mem>>)
    %dma_start3A_28 = arith.constant 192 : i32
    %dma_start3A_29 = arith.constant 0 : i32
    %dma_start3A_30 = tpu.memref_slice %arg6[%dma_start3A_28, %dma_start3A_29] : memref<832x128xf32, #tpu.memory_space<vmem>> -> memref<64x128xf32, #tpu.memory_space<vmem>>
    %dma_start3A_31 = arith.constant 192 : i32
    %dma_start3A_32 = tpu.memref_slice %arg5[%dma_start3A_31] : memref<832xi32, #tpu.memory_space<vmem>> -> memref<64xi32, #tpu.memory_space<vmem>>
    %dma_start3A_33 = arith.constant 0 : i32
    %dma_start3A_34 = arith.constant 0 : i32
    %dma_start3A_35 = tpu.memref_slice %arg2[%dma_start3A_33, %dma_start3A_34] : memref<100000x128xf32, #tpu.memory_space<hbm>> -> memref<100000x128xf32, #tpu.memory_space<hbm>>
    tpu.enqueue_indirect_dma source(%dma_start3A_35 : memref<100000x128xf32, #tpu.memory_space<hbm>>) target(%dma_start3A_30 : memref<64x128xf32, #tpu.memory_space<vmem>>) offsets(%dma_start3A_32 : memref<64xi32, #tpu.memory_space<vmem>>) semaphore(%arg7 : memref<!tpu.dma_semaphore, #tpu.memory_space<semaphore_mem>>)
    %dma_start3A_36 = arith.constant 256 : i32
    %dma_start3A_37 = arith.constant 0 : i32
    %dma_start3A_38 = tpu.memref_slice %arg6[%dma_start3A_36, %dma_start3A_37] : memref<832x128xf32, #tpu.memory_space<vmem>> -> memref<64x128xf32, #tpu.memory_space<vmem>>
    %dma_start3A_39 = arith.constant 256 : i32
    %dma_start3A_40 = tpu.memref_slice %arg5[%dma_start3A_39] : memref<832xi32, #tpu.memory_space<vmem>> -> memref<64xi32, #tpu.memory_space<vmem>>
    %dma_start3A_41 = arith.constant 0 : i32
    %dma_start3A_42 = arith.constant 0 : i32
    %dma_start3A_43 = tpu.memref_slice %arg2[%dma_start3A_41, %dma_start3A_42] : memref<100000x128xf32, #tpu.memory_space<hbm>> -> memref<100000x128xf32, #tpu.memory_space<hbm>>
    tpu.enqueue_indirect_dma source(%dma_start3A_43 : memref<100000x128xf32, #tpu.memory_space<hbm>>) target(%dma_start3A_38 : memref<64x128xf32, #tpu.memory_space<vmem>>) offsets(%dma_start3A_40 : memref<64xi32, #tpu.memory_space<vmem>>) semaphore(%arg7 : memref<!tpu.dma_semaphore, #tpu.memory_space<semaphore_mem>>)
    %dma_start3A_44 = arith.constant 320 : i32
    %dma_start3A_45 = arith.constant 0 : i32
    %dma_start3A_46 = tpu.memref_slice %arg6[%dma_start3A_44, %dma_start3A_45] : memref<832x128xf32, #tpu.memory_space<vmem>> -> memref<64x128xf32, #tpu.memory_space<vmem>>
    %dma_start3A_47 = arith.constant 320 : i32
    %dma_start3A_48 = tpu.memref_slice %arg5[%dma_start3A_47] : memref<832xi32, #tpu.memory_space<vmem>> -> memref<64xi32, #tpu.memory_space<vmem>>
    %dma_start3A_49 = arith.constant 0 : i32
    %dma_start3A_50 = arith.constant 0 : i32
    %dma_start3A_51 = tpu.memref_slice %arg2[%dma_start3A_49, %dma_start3A_50] : memref<100000x128xf32, #tpu.memory_space<hbm>> -> memref<100000x128xf32, #tpu.memory_space<hbm>>
    tpu.enqueue_indirect_dma source(%dma_start3A_51 : memref<100000x128xf32, #tpu.memory_space<hbm>>) target(%dma_start3A_46 : memref<64x128xf32, #tpu.memory_space<vmem>>) offsets(%dma_start3A_48 : memref<64xi32, #tpu.memory_space<vmem>>) semaphore(%arg7 : memref<!tpu.dma_semaphore, #tpu.memory_space<semaphore_mem>>)
    %dma_start3A_52 = arith.constant 384 : i32
    %dma_start3A_53 = arith.constant 0 : i32
    %dma_start3A_54 = tpu.memref_slice %arg6[%dma_start3A_52, %dma_start3A_53] : memref<832x128xf32, #tpu.memory_space<vmem>> -> memref<64x128xf32, #tpu.memory_space<vmem>>
    %dma_start3A_55 = arith.constant 384 : i32
    %dma_start3A_56 = tpu.memref_slice %arg5[%dma_start3A_55] : memref<832xi32, #tpu.memory_space<vmem>> -> memref<64xi32, #tpu.memory_space<vmem>>
    %dma_start3A_57 = arith.constant 0 : i32
    %dma_start3A_58 = arith.constant 0 : i32
    %dma_start3A_59 = tpu.memref_slice %arg2[%dma_start3A_57, %dma_start3A_58] : memref<100000x128xf32, #tpu.memory_space<hbm>> -> memref<100000x128xf32, #tpu.memory_space<hbm>>
    tpu.enqueue_indirect_dma source(%dma_start3A_59 : memref<100000x128xf32, #tpu.memory_space<hbm>>) target(%dma_start3A_54 : memref<64x128xf32, #tpu.memory_space<vmem>>) offsets(%dma_start3A_56 : memref<64xi32, #tpu.memory_space<vmem>>) semaphore(%arg8 : memref<!tpu.dma_semaphore, #tpu.memory_space<semaphore_mem>>)
    %dma_start3A_60 = arith.constant 448 : i32
    %dma_start3A_61 = arith.constant 0 : i32
    %dma_start3A_62 = tpu.memref_slice %arg6[%dma_start3A_60, %dma_start3A_61] : memref<832x128xf32, #tpu.memory_space<vmem>> -> memref<64x128xf32, #tpu.memory_space<vmem>>
    %dma_start3A_63 = arith.constant 448 : i32
    %dma_start3A_64 = tpu.memref_slice %arg5[%dma_start3A_63] : memref<832xi32, #tpu.memory_space<vmem>> -> memref<64xi32, #tpu.memory_space<vmem>>
    %dma_start3A_65 = arith.constant 0 : i32
    %dma_start3A_66 = arith.constant 0 : i32
    %dma_start3A_67 = tpu.memref_slice %arg2[%dma_start3A_65, %dma_start3A_66] : memref<100000x128xf32, #tpu.memory_space<hbm>> -> memref<100000x128xf32, #tpu.memory_space<hbm>>
    tpu.enqueue_indirect_dma source(%dma_start3A_67 : memref<100000x128xf32, #tpu.memory_space<hbm>>) target(%dma_start3A_62 : memref<64x128xf32, #tpu.memory_space<vmem>>) offsets(%dma_start3A_64 : memref<64xi32, #tpu.memory_space<vmem>>) semaphore(%arg8 : memref<!tpu.dma_semaphore, #tpu.memory_space<semaphore_mem>>)
    %dma_start3A_68 = arith.constant 512 : i32
    %dma_start3A_69 = arith.constant 0 : i32
    %dma_start3A_70 = tpu.memref_slice %arg6[%dma_start3A_68, %dma_start3A_69] : memref<832x128xf32, #tpu.memory_space<vmem>> -> memref<64x128xf32, #tpu.memory_space<vmem>>
    %dma_start3A_71 = arith.constant 512 : i32
    %dma_start3A_72 = tpu.memref_slice %arg5[%dma_start3A_71] : memref<832xi32, #tpu.memory_space<vmem>> -> memref<64xi32, #tpu.memory_space<vmem>>
    %dma_start3A_73 = arith.constant 0 : i32
    %dma_start3A_74 = arith.constant 0 : i32
    %dma_start3A_75 = tpu.memref_slice %arg2[%dma_start3A_73, %dma_start3A_74] : memref<100000x128xf32, #tpu.memory_space<hbm>> -> memref<100000x128xf32, #tpu.memory_space<hbm>>
    tpu.enqueue_indirect_dma source(%dma_start3A_75 : memref<100000x128xf32, #tpu.memory_space<hbm>>) target(%dma_start3A_70 : memref<64x128xf32, #tpu.memory_space<vmem>>) offsets(%dma_start3A_72 : memref<64xi32, #tpu.memory_space<vmem>>) semaphore(%arg8 : memref<!tpu.dma_semaphore, #tpu.memory_space<semaphore_mem>>)
    %dma_start3A_76 = arith.constant 576 : i32
    %dma_start3A_77 = arith.constant 0 : i32
    %dma_start3A_78 = tpu.memref_slice %arg6[%dma_start3A_76, %dma_start3A_77] : memref<832x128xf32, #tpu.memory_space<vmem>> -> memref<64x128xf32, #tpu.memory_space<vmem>>
    %dma_start3A_79 = arith.constant 576 : i32
    %dma_start3A_80 = tpu.memref_slice %arg5[%dma_start3A_79] : memref<832xi32, #tpu.memory_space<vmem>> -> memref<64xi32, #tpu.memory_space<vmem>>
    %dma_start3A_81 = arith.constant 0 : i32
    %dma_start3A_82 = arith.constant 0 : i32
    %dma_start3A_83 = tpu.memref_slice %arg2[%dma_start3A_81, %dma_start3A_82] : memref<100000x128xf32, #tpu.memory_space<hbm>> -> memref<100000x128xf32, #tpu.memory_space<hbm>>
    tpu.enqueue_indirect_dma source(%dma_start3A_83 : memref<100000x128xf32, #tpu.memory_space<hbm>>) target(%dma_start3A_78 : memref<64x128xf32, #tpu.memory_space<vmem>>) offsets(%dma_start3A_80 : memref<64xi32, #tpu.memory_space<vmem>>) semaphore(%arg8 : memref<!tpu.dma_semaphore, #tpu.memory_space<semaphore_mem>>)
    %dma_start3A_84 = arith.constant 640 : i32
    %dma_start3A_85 = arith.constant 0 : i32
    %dma_start3A_86 = tpu.memref_slice %arg6[%dma_start3A_84, %dma_start3A_85] : memref<832x128xf32, #tpu.memory_space<vmem>> -> memref<64x128xf32, #tpu.memory_space<vmem>>
    %dma_start3A_87 = arith.constant 640 : i32
    %dma_start3A_88 = tpu.memref_slice %arg5[%dma_start3A_87] : memref<832xi32, #tpu.memory_space<vmem>> -> memref<64xi32, #tpu.memory_space<vmem>>
    %dma_start3A_89 = arith.constant 0 : i32
    %dma_start3A_90 = arith.constant 0 : i32
    %dma_start3A_91 = tpu.memref_slice %arg2[%dma_start3A_89, %dma_start3A_90] : memref<100000x128xf32, #tpu.memory_space<hbm>> -> memref<100000x128xf32, #tpu.memory_space<hbm>>
    tpu.enqueue_indirect_dma source(%dma_start3A_91 : memref<100000x128xf32, #tpu.memory_space<hbm>>) target(%dma_start3A_86 : memref<64x128xf32, #tpu.memory_space<vmem>>) offsets(%dma_start3A_88 : memref<64xi32, #tpu.memory_space<vmem>>) semaphore(%arg8 : memref<!tpu.dma_semaphore, #tpu.memory_space<semaphore_mem>>)
    %dma_start3A_92 = arith.constant 704 : i32
    %dma_start3A_93 = arith.constant 0 : i32
    %dma_start3A_94 = tpu.memref_slice %arg6[%dma_start3A_92, %dma_start3A_93] : memref<832x128xf32, #tpu.memory_space<vmem>> -> memref<64x128xf32, #tpu.memory_space<vmem>>
    %dma_start3A_95 = arith.constant 704 : i32
    %dma_start3A_96 = tpu.memref_slice %arg5[%dma_start3A_95] : memref<832xi32, #tpu.memory_space<vmem>> -> memref<64xi32, #tpu.memory_space<vmem>>
    %dma_start3A_97 = arith.constant 0 : i32
    %dma_start3A_98 = arith.constant 0 : i32
    %dma_start3A_99 = tpu.memref_slice %arg2[%dma_start3A_97, %dma_start3A_98] : memref<100000x128xf32, #tpu.memory_space<hbm>> -> memref<100000x128xf32, #tpu.memory_space<hbm>>
    tpu.enqueue_indirect_dma source(%dma_start3A_99 : memref<100000x128xf32, #tpu.memory_space<hbm>>) target(%dma_start3A_94 : memref<64x128xf32, #tpu.memory_space<vmem>>) offsets(%dma_start3A_96 : memref<64xi32, #tpu.memory_space<vmem>>) semaphore(%arg8 : memref<!tpu.dma_semaphore, #tpu.memory_space<semaphore_mem>>)
    %dma_start3A_100 = arith.constant 768 : i32
    %dma_start3A_101 = arith.constant 0 : i32
    %dma_start3A_102 = tpu.memref_slice %arg6[%dma_start3A_100, %dma_start3A_101] : memref<832x128xf32, #tpu.memory_space<vmem>> -> memref<64x128xf32, #tpu.memory_space<vmem>>
    %dma_start3A_103 = arith.constant 768 : i32
    %dma_start3A_104 = tpu.memref_slice %arg5[%dma_start3A_103] : memref<832xi32, #tpu.memory_space<vmem>> -> memref<64xi32, #tpu.memory_space<vmem>>
    %dma_start3A_105 = arith.constant 0 : i32
    %dma_start3A_106 = arith.constant 0 : i32
    %dma_start3A_107 = tpu.memref_slice %arg2[%dma_start3A_105, %dma_start3A_106] : memref<100000x128xf32, #tpu.memory_space<hbm>> -> memref<100000x128xf32, #tpu.memory_space<hbm>>
    tpu.enqueue_indirect_dma source(%dma_start3A_107 : memref<100000x128xf32, #tpu.memory_space<hbm>>) target(%dma_start3A_102 : memref<64x128xf32, #tpu.memory_space<vmem>>) offsets(%dma_start3A_104 : memref<64xi32, #tpu.memory_space<vmem>>) semaphore(%arg8 : memref<!tpu.dma_semaphore, #tpu.memory_space<semaphore_mem>>)
    %dma_wait3A = arith.constant 0 : i32
    %dma_wait3A_108 = arith.constant 0 : i32
    %dma_wait3A_109 = tpu.memref_slice %arg6[%dma_wait3A, %dma_wait3A_108] : memref<832x128xf32, #tpu.memory_space<vmem>> -> memref<64x128xf32, #tpu.memory_space<vmem>>
    %dma_wait3A_110 = arith.constant 0 : i32
    %dma_wait3A_111 = tpu.memref_slice %arg5[%dma_wait3A_110] : memref<832xi32, #tpu.memory_space<vmem>> -> memref<64xi32, #tpu.memory_space<vmem>>
    %dma_wait3A_112 = arith.constant 0 : i32
    %dma_wait3A_113 = arith.constant 0 : i32
    %dma_wait3A_114 = tpu.memref_slice %arg2[%dma_wait3A_112, %dma_wait3A_113] : memref<100000x128xf32, #tpu.memory_space<hbm>> -> memref<100000x128xf32, #tpu.memory_space<hbm>>
    tpu.wait_indirect_dma semaphore(%arg7 : memref<!tpu.dma_semaphore, #tpu.memory_space<semaphore_mem>>) src(%dma_wait3A_114 : memref<100000x128xf32, #tpu.memory_space<hbm>>) dst(%dma_wait3A_109 : memref<64x128xf32, #tpu.memory_space<vmem>>)
    %dma_wait3A_115 = arith.constant 64 : i32
    %dma_wait3A_116 = arith.constant 0 : i32
    %dma_wait3A_117 = tpu.memref_slice %arg6[%dma_wait3A_115, %dma_wait3A_116] : memref<832x128xf32, #tpu.memory_space<vmem>> -> memref<64x128xf32, #tpu.memory_space<vmem>>
    %dma_wait3A_118 = arith.constant 64 : i32
    %dma_wait3A_119 = tpu.memref_slice %arg5[%dma_wait3A_118] : memref<832xi32, #tpu.memory_space<vmem>> -> memref<64xi32, #tpu.memory_space<vmem>>
    %dma_wait3A_120 = arith.constant 0 : i32
    %dma_wait3A_121 = arith.constant 0 : i32
    %dma_wait3A_122 = tpu.memref_slice %arg2[%dma_wait3A_120, %dma_wait3A_121] : memref<100000x128xf32, #tpu.memory_space<hbm>> -> memref<100000x128xf32, #tpu.memory_space<hbm>>
    tpu.wait_indirect_dma semaphore(%arg7 : memref<!tpu.dma_semaphore, #tpu.memory_space<semaphore_mem>>) src(%dma_wait3A_122 : memref<100000x128xf32, #tpu.memory_space<hbm>>) dst(%dma_wait3A_117 : memref<64x128xf32, #tpu.memory_space<vmem>>)
    %dma_wait3A_123 = arith.constant 128 : i32
    %dma_wait3A_124 = arith.constant 0 : i32
    %dma_wait3A_125 = tpu.memref_slice %arg6[%dma_wait3A_123, %dma_wait3A_124] : memref<832x128xf32, #tpu.memory_space<vmem>> -> memref<64x128xf32, #tpu.memory_space<vmem>>
    %dma_wait3A_126 = arith.constant 128 : i32
    %dma_wait3A_127 = tpu.memref_slice %arg5[%dma_wait3A_126] : memref<832xi32, #tpu.memory_space<vmem>> -> memref<64xi32, #tpu.memory_space<vmem>>
    %dma_wait3A_128 = arith.constant 0 : i32
    %dma_wait3A_129 = arith.constant 0 : i32
    %dma_wait3A_130 = tpu.memref_slice %arg2[%dma_wait3A_128, %dma_wait3A_129] : memref<100000x128xf32, #tpu.memory_space<hbm>> -> memref<100000x128xf32, #tpu.memory_space<hbm>>
    tpu.wait_indirect_dma semaphore(%arg7 : memref<!tpu.dma_semaphore, #tpu.memory_space<semaphore_mem>>) src(%dma_wait3A_130 : memref<100000x128xf32, #tpu.memory_space<hbm>>) dst(%dma_wait3A_125 : memref<64x128xf32, #tpu.memory_space<vmem>>)
    %dma_wait3A_131 = arith.constant 192 : i32
    %dma_wait3A_132 = arith.constant 0 : i32
    %dma_wait3A_133 = tpu.memref_slice %arg6[%dma_wait3A_131, %dma_wait3A_132] : memref<832x128xf32, #tpu.memory_space<vmem>> -> memref<64x128xf32, #tpu.memory_space<vmem>>
    %dma_wait3A_134 = arith.constant 192 : i32
    %dma_wait3A_135 = tpu.memref_slice %arg5[%dma_wait3A_134] : memref<832xi32, #tpu.memory_space<vmem>> -> memref<64xi32, #tpu.memory_space<vmem>>
    %dma_wait3A_136 = arith.constant 0 : i32
    %dma_wait3A_137 = arith.constant 0 : i32
    %dma_wait3A_138 = tpu.memref_slice %arg2[%dma_wait3A_136, %dma_wait3A_137] : memref<100000x128xf32, #tpu.memory_space<hbm>> -> memref<100000x128xf32, #tpu.memory_space<hbm>>
    tpu.wait_indirect_dma semaphore(%arg7 : memref<!tpu.dma_semaphore, #tpu.memory_space<semaphore_mem>>) src(%dma_wait3A_138 : memref<100000x128xf32, #tpu.memory_space<hbm>>) dst(%dma_wait3A_133 : memref<64x128xf32, #tpu.memory_space<vmem>>)
    %dma_wait3A_139 = arith.constant 256 : i32
    %dma_wait3A_140 = arith.constant 0 : i32
    %dma_wait3A_141 = tpu.memref_slice %arg6[%dma_wait3A_139, %dma_wait3A_140] : memref<832x128xf32, #tpu.memory_space<vmem>> -> memref<64x128xf32, #tpu.memory_space<vmem>>
    %dma_wait3A_142 = arith.constant 256 : i32
    %dma_wait3A_143 = tpu.memref_slice %arg5[%dma_wait3A_142] : memref<832xi32, #tpu.memory_space<vmem>> -> memref<64xi32, #tpu.memory_space<vmem>>
    %dma_wait3A_144 = arith.constant 0 : i32
    %dma_wait3A_145 = arith.constant 0 : i32
    %dma_wait3A_146 = tpu.memref_slice %arg2[%dma_wait3A_144, %dma_wait3A_145] : memref<100000x128xf32, #tpu.memory_space<hbm>> -> memref<100000x128xf32, #tpu.memory_space<hbm>>
    tpu.wait_indirect_dma semaphore(%arg7 : memref<!tpu.dma_semaphore, #tpu.memory_space<semaphore_mem>>) src(%dma_wait3A_146 : memref<100000x128xf32, #tpu.memory_space<hbm>>) dst(%dma_wait3A_141 : memref<64x128xf32, #tpu.memory_space<vmem>>)
    %dma_wait3A_147 = arith.constant 320 : i32
    %dma_wait3A_148 = arith.constant 0 : i32
    %dma_wait3A_149 = tpu.memref_slice %arg6[%dma_wait3A_147, %dma_wait3A_148] : memref<832x128xf32, #tpu.memory_space<vmem>> -> memref<64x128xf32, #tpu.memory_space<vmem>>
    %dma_wait3A_150 = arith.constant 320 : i32
    %dma_wait3A_151 = tpu.memref_slice %arg5[%dma_wait3A_150] : memref<832xi32, #tpu.memory_space<vmem>> -> memref<64xi32, #tpu.memory_space<vmem>>
    %dma_wait3A_152 = arith.constant 0 : i32
    %dma_wait3A_153 = arith.constant 0 : i32
    %dma_wait3A_154 = tpu.memref_slice %arg2[%dma_wait3A_152, %dma_wait3A_153] : memref<100000x128xf32, #tpu.memory_space<hbm>> -> memref<100000x128xf32, #tpu.memory_space<hbm>>
    tpu.wait_indirect_dma semaphore(%arg7 : memref<!tpu.dma_semaphore, #tpu.memory_space<semaphore_mem>>) src(%dma_wait3A_154 : memref<100000x128xf32, #tpu.memory_space<hbm>>) dst(%dma_wait3A_149 : memref<64x128xf32, #tpu.memory_space<vmem>>)
    %add3A_155 = arith.constant 0 : i32
    %add3A_156 = arith.addi %mul3A_2, %add3A_155 : i32
    %dma_start3A_157 = arith.constant 0 : i32
    %dma_start3A_158 = arith.constant 0 : i32
    %dma_start3A_159 = tpu.memref_slice %arg6[%dma_start3A_157, %dma_start3A_158] : memref<832x128xf32, #tpu.memory_space<vmem>> -> memref<384x128xf32, #tpu.memory_space<vmem>>
    %dma_start3A_160 = arith.constant 0 : i32
    %dma_start3A_161 = tpu.memref_slice %arg4[%add3A_156, %dma_start3A_160] : memref<26624x128xf32, #tpu.memory_space<hbm>> -> memref<384x128xf32, #tpu.memory_space<hbm>>
    %dma_start3A_162 = arith.constant 0 : i32
    %dma_start3A_163 = tpu.memref_slice %arg4[%add3A_156, %dma_start3A_162] : memref<26624x128xf32, #tpu.memory_space<hbm>> -> memref<384x128xf32, #tpu.memory_space<hbm>>
    %dma_start3A_164 = arith.constant 0 : i32
    %dma_start3A_165 = arith.constant 0 : i32
    %dma_start3A_166 = tpu.memref_slice %arg6[%dma_start3A_164, %dma_start3A_165] : memref<832x128xf32, #tpu.memory_space<vmem>> -> memref<384x128xf32, #tpu.memory_space<vmem>>
    tpu.enqueue_dma source(%dma_start3A_166 : memref<384x128xf32, #tpu.memory_space<vmem>>) target(%dma_start3A_163 : memref<384x128xf32, #tpu.memory_space<hbm>>) target_semaphore(%arg9 : memref<!tpu.dma_semaphore, #tpu.memory_space<semaphore_mem>>)
    %dma_wait3A_167 = arith.constant 384 : i32
    %dma_wait3A_168 = arith.constant 0 : i32
    %dma_wait3A_169 = tpu.memref_slice %arg6[%dma_wait3A_167, %dma_wait3A_168] : memref<832x128xf32, #tpu.memory_space<vmem>> -> memref<64x128xf32, #tpu.memory_space<vmem>>
    %dma_wait3A_170 = arith.constant 384 : i32
    %dma_wait3A_171 = tpu.memref_slice %arg5[%dma_wait3A_170] : memref<832xi32, #tpu.memory_space<vmem>> -> memref<64xi32, #tpu.memory_space<vmem>>
    %dma_wait3A_172 = arith.constant 0 : i32
    %dma_wait3A_173 = arith.constant 0 : i32
    %dma_wait3A_174 = tpu.memref_slice %arg2[%dma_wait3A_172, %dma_wait3A_173] : memref<100000x128xf32, #tpu.memory_space<hbm>> -> memref<100000x128xf32, #tpu.memory_space<hbm>>
    tpu.wait_indirect_dma semaphore(%arg8 : memref<!tpu.dma_semaphore, #tpu.memory_space<semaphore_mem>>) src(%dma_wait3A_174 : memref<100000x128xf32, #tpu.memory_space<hbm>>) dst(%dma_wait3A_169 : memref<64x128xf32, #tpu.memory_space<vmem>>)
    %dma_wait3A_175 = arith.constant 448 : i32
    %dma_wait3A_176 = arith.constant 0 : i32
    %dma_wait3A_177 = tpu.memref_slice %arg6[%dma_wait3A_175, %dma_wait3A_176] : memref<832x128xf32, #tpu.memory_space<vmem>> -> memref<64x128xf32, #tpu.memory_space<vmem>>
    %dma_wait3A_178 = arith.constant 448 : i32
    %dma_wait3A_179 = tpu.memref_slice %arg5[%dma_wait3A_178] : memref<832xi32, #tpu.memory_space<vmem>> -> memref<64xi32, #tpu.memory_space<vmem>>
    %dma_wait3A_180 = arith.constant 0 : i32
    %dma_wait3A_181 = arith.constant 0 : i32
    %dma_wait3A_182 = tpu.memref_slice %arg2[%dma_wait3A_180, %dma_wait3A_181] : memref<100000x128xf32, #tpu.memory_space<hbm>> -> memref<100000x128xf32, #tpu.memory_space<hbm>>
    tpu.wait_indirect_dma semaphore(%arg8 : memref<!tpu.dma_semaphore, #tpu.memory_space<semaphore_mem>>) src(%dma_wait3A_182 : memref<100000x128xf32, #tpu.memory_space<hbm>>) dst(%dma_wait3A_177 : memref<64x128xf32, #tpu.memory_space<vmem>>)
    %dma_wait3A_183 = arith.constant 512 : i32
    %dma_wait3A_184 = arith.constant 0 : i32
    %dma_wait3A_185 = tpu.memref_slice %arg6[%dma_wait3A_183, %dma_wait3A_184] : memref<832x128xf32, #tpu.memory_space<vmem>> -> memref<64x128xf32, #tpu.memory_space<vmem>>
    %dma_wait3A_186 = arith.constant 512 : i32
    %dma_wait3A_187 = tpu.memref_slice %arg5[%dma_wait3A_186] : memref<832xi32, #tpu.memory_space<vmem>> -> memref<64xi32, #tpu.memory_space<vmem>>
    %dma_wait3A_188 = arith.constant 0 : i32
    %dma_wait3A_189 = arith.constant 0 : i32
    %dma_wait3A_190 = tpu.memref_slice %arg2[%dma_wait3A_188, %dma_wait3A_189] : memref<100000x128xf32, #tpu.memory_space<hbm>> -> memref<100000x128xf32, #tpu.memory_space<hbm>>
    tpu.wait_indirect_dma semaphore(%arg8 : memref<!tpu.dma_semaphore, #tpu.memory_space<semaphore_mem>>) src(%dma_wait3A_190 : memref<100000x128xf32, #tpu.memory_space<hbm>>) dst(%dma_wait3A_185 : memref<64x128xf32, #tpu.memory_space<vmem>>)
    %dma_wait3A_191 = arith.constant 576 : i32
    %dma_wait3A_192 = arith.constant 0 : i32
    %dma_wait3A_193 = tpu.memref_slice %arg6[%dma_wait3A_191, %dma_wait3A_192] : memref<832x128xf32, #tpu.memory_space<vmem>> -> memref<64x128xf32, #tpu.memory_space<vmem>>
    %dma_wait3A_194 = arith.constant 576 : i32
    %dma_wait3A_195 = tpu.memref_slice %arg5[%dma_wait3A_194] : memref<832xi32, #tpu.memory_space<vmem>> -> memref<64xi32, #tpu.memory_space<vmem>>
    %dma_wait3A_196 = arith.constant 0 : i32
    %dma_wait3A_197 = arith.constant 0 : i32
    %dma_wait3A_198 = tpu.memref_slice %arg2[%dma_wait3A_196, %dma_wait3A_197] : memref<100000x128xf32, #tpu.memory_space<hbm>> -> memref<100000x128xf32, #tpu.memory_space<hbm>>
    tpu.wait_indirect_dma semaphore(%arg8 : memref<!tpu.dma_semaphore, #tpu.memory_space<semaphore_mem>>) src(%dma_wait3A_198 : memref<100000x128xf32, #tpu.memory_space<hbm>>) dst(%dma_wait3A_193 : memref<64x128xf32, #tpu.memory_space<vmem>>)
    %dma_wait3A_199 = arith.constant 640 : i32
    %dma_wait3A_200 = arith.constant 0 : i32
    %dma_wait3A_201 = tpu.memref_slice %arg6[%dma_wait3A_199, %dma_wait3A_200] : memref<832x128xf32, #tpu.memory_space<vmem>> -> memref<64x128xf32, #tpu.memory_space<vmem>>
    %dma_wait3A_202 = arith.constant 640 : i32
    %dma_wait3A_203 = tpu.memref_slice %arg5[%dma_wait3A_202] : memref<832xi32, #tpu.memory_space<vmem>> -> memref<64xi32, #tpu.memory_space<vmem>>
    %dma_wait3A_204 = arith.constant 0 : i32
    %dma_wait3A_205 = arith.constant 0 : i32
    %dma_wait3A_206 = tpu.memref_slice %arg2[%dma_wait3A_204, %dma_wait3A_205] : memref<100000x128xf32, #tpu.memory_space<hbm>> -> memref<100000x128xf32, #tpu.memory_space<hbm>>
    tpu.wait_indirect_dma semaphore(%arg8 : memref<!tpu.dma_semaphore, #tpu.memory_space<semaphore_mem>>) src(%dma_wait3A_206 : memref<100000x128xf32, #tpu.memory_space<hbm>>) dst(%dma_wait3A_201 : memref<64x128xf32, #tpu.memory_space<vmem>>)
    %dma_wait3A_207 = arith.constant 704 : i32
    %dma_wait3A_208 = arith.constant 0 : i32
    %dma_wait3A_209 = tpu.memref_slice %arg6[%dma_wait3A_207, %dma_wait3A_208] : memref<832x128xf32, #tpu.memory_space<vmem>> -> memref<64x128xf32, #tpu.memory_space<vmem>>
    %dma_wait3A_210 = arith.constant 704 : i32
    %dma_wait3A_211 = tpu.memref_slice %arg5[%dma_wait3A_210] : memref<832xi32, #tpu.memory_space<vmem>> -> memref<64xi32, #tpu.memory_space<vmem>>
    %dma_wait3A_212 = arith.constant 0 : i32
    %dma_wait3A_213 = arith.constant 0 : i32
    %dma_wait3A_214 = tpu.memref_slice %arg2[%dma_wait3A_212, %dma_wait3A_213] : memref<100000x128xf32, #tpu.memory_space<hbm>> -> memref<100000x128xf32, #tpu.memory_space<hbm>>
    tpu.wait_indirect_dma semaphore(%arg8 : memref<!tpu.dma_semaphore, #tpu.memory_space<semaphore_mem>>) src(%dma_wait3A_214 : memref<100000x128xf32, #tpu.memory_space<hbm>>) dst(%dma_wait3A_209 : memref<64x128xf32, #tpu.memory_space<vmem>>)
    %dma_wait3A_215 = arith.constant 768 : i32
    %dma_wait3A_216 = arith.constant 0 : i32
    %dma_wait3A_217 = tpu.memref_slice %arg6[%dma_wait3A_215, %dma_wait3A_216] : memref<832x128xf32, #tpu.memory_space<vmem>> -> memref<64x128xf32, #tpu.memory_space<vmem>>
    %dma_wait3A_218 = arith.constant 768 : i32
    %dma_wait3A_219 = tpu.memref_slice %arg5[%dma_wait3A_218] : memref<832xi32, #tpu.memory_space<vmem>> -> memref<64xi32, #tpu.memory_space<vmem>>
    %dma_wait3A_220 = arith.constant 0 : i32
    %dma_wait3A_221 = arith.constant 0 : i32
    %dma_wait3A_222 = tpu.memref_slice %arg2[%dma_wait3A_220, %dma_wait3A_221] : memref<100000x128xf32, #tpu.memory_space<hbm>> -> memref<100000x128xf32, #tpu.memory_space<hbm>>
    tpu.wait_indirect_dma semaphore(%arg8 : memref<!tpu.dma_semaphore, #tpu.memory_space<semaphore_mem>>) src(%dma_wait3A_222 : memref<100000x128xf32, #tpu.memory_space<hbm>>) dst(%dma_wait3A_217 : memref<64x128xf32, #tpu.memory_space<vmem>>)
    %add3A_223 = arith.constant 384 : i32
    %add3A_224 = arith.addi %mul3A_2, %add3A_223 : i32
    %dma_start3A_225 = arith.constant 384 : i32
    %dma_start3A_226 = arith.constant 0 : i32
    %dma_start3A_227 = tpu.memref_slice %arg6[%dma_start3A_225, %dma_start3A_226] : memref<832x128xf32, #tpu.memory_space<vmem>> -> memref<448x128xf32, #tpu.memory_space<vmem>>
    %dma_start3A_228 = arith.constant 0 : i32
    %dma_start3A_229 = tpu.memref_slice %arg4[%add3A_224, %dma_start3A_228] : memref<26624x128xf32, #tpu.memory_space<hbm>> -> memref<448x128xf32, #tpu.memory_space<hbm>>
    %dma_start3A_230 = arith.constant 0 : i32
    %dma_start3A_231 = tpu.memref_slice %arg4[%add3A_224, %dma_start3A_230] : memref<26624x128xf32, #tpu.memory_space<hbm>> -> memref<448x128xf32, #tpu.memory_space<hbm>>
    %dma_start3A_232 = arith.constant 384 : i32
    %dma_start3A_233 = arith.constant 0 : i32
    %dma_start3A_234 = tpu.memref_slice %arg6[%dma_start3A_232, %dma_start3A_233] : memref<832x128xf32, #tpu.memory_space<vmem>> -> memref<448x128xf32, #tpu.memory_space<vmem>>
    tpu.enqueue_dma source(%dma_start3A_234 : memref<448x128xf32, #tpu.memory_space<vmem>>) target(%dma_start3A_231 : memref<448x128xf32, #tpu.memory_space<hbm>>) target_semaphore(%arg9 : memref<!tpu.dma_semaphore, #tpu.memory_space<semaphore_mem>>)
    %dma_wait3A_235 = arith.constant 0 : i32
    %dma_wait3A_236 = arith.constant 0 : i32
    %dma_wait3A_237 = tpu.memref_slice %arg6[%dma_wait3A_235, %dma_wait3A_236] : memref<832x128xf32, #tpu.memory_space<vmem>> -> memref<384x128xf32, #tpu.memory_space<vmem>>
    %dma_wait3A_238 = arith.constant 0 : i32
    %dma_wait3A_239 = tpu.memref_slice %arg4[%add3A_156, %dma_wait3A_238] : memref<26624x128xf32, #tpu.memory_space<hbm>> -> memref<384x128xf32, #tpu.memory_space<hbm>>
    %dma_wait3A_240 = arith.constant 0 : i32
    %dma_wait3A_241 = tpu.memref_slice %arg4[%add3A_156, %dma_wait3A_240] : memref<26624x128xf32, #tpu.memory_space<hbm>> -> memref<384x128xf32, #tpu.memory_space<hbm>>
    %dma_wait3A_242 = arith.constant 0 : i32
    %dma_wait3A_243 = arith.constant 0 : i32
    %dma_wait3A_244 = tpu.memref_slice %arg6[%dma_wait3A_242, %dma_wait3A_243] : memref<832x128xf32, #tpu.memory_space<vmem>> -> memref<384x128xf32, #tpu.memory_space<vmem>>
    tpu.wait_dma2 semaphore(%arg9 : memref<!tpu.dma_semaphore, #tpu.memory_space<semaphore_mem>>) src(%dma_wait3A_244 : memref<384x128xf32, #tpu.memory_space<vmem>>) dst(%dma_wait3A_241 : memref<384x128xf32, #tpu.memory_space<hbm>>)
    %dma_wait3A_245 = arith.constant 384 : i32
    %dma_wait3A_246 = arith.constant 0 : i32
    %dma_wait3A_247 = tpu.memref_slice %arg6[%dma_wait3A_245, %dma_wait3A_246] : memref<832x128xf32, #tpu.memory_space<vmem>> -> memref<448x128xf32, #tpu.memory_space<vmem>>
    %dma_wait3A_248 = arith.constant 0 : i32
    %dma_wait3A_249 = tpu.memref_slice %arg4[%add3A_224, %dma_wait3A_248] : memref<26624x128xf32, #tpu.memory_space<hbm>> -> memref<448x128xf32, #tpu.memory_space<hbm>>
    %dma_wait3A_250 = arith.constant 0 : i32
    %dma_wait3A_251 = tpu.memref_slice %arg4[%add3A_224, %dma_wait3A_250] : memref<26624x128xf32, #tpu.memory_space<hbm>> -> memref<448x128xf32, #tpu.memory_space<hbm>>
    %dma_wait3A_252 = arith.constant 384 : i32
    %dma_wait3A_253 = arith.constant 0 : i32
    %dma_wait3A_254 = tpu.memref_slice %arg6[%dma_wait3A_252, %dma_wait3A_253] : memref<832x128xf32, #tpu.memory_space<vmem>> -> memref<448x128xf32, #tpu.memory_space<vmem>>
    tpu.wait_dma2 semaphore(%arg9 : memref<!tpu.dma_semaphore, #tpu.memory_space<semaphore_mem>>) src(%dma_wait3A_254 : memref<448x128xf32, #tpu.memory_space<vmem>>) dst(%dma_wait3A_251 : memref<448x128xf32, #tpu.memory_space<hbm>>)
    return
  }
}

#map = affine_map<(d0, d1) -> (0, 0)>
#map1 = affine_map<(d0, d1) -> (0)>
module attributes {stable_mosaic.version = 14 : i64} {
  func.func @gather_kernel(%arg0: i32, %arg1: i32, %arg2: memref<100000x128xf32, #tpu.memory_space<hbm>>, %arg3: memref<51200xi32, #tpu.memory_space<hbm>>, %arg4: memref<2048x128xf32, #tpu.memory_space<hbm>>, %arg5: memref<64xi32, #tpu.memory_space<vmem>>, %arg6: memref<64x128xf32, #tpu.memory_space<vmem>>, %arg7: memref<!tpu.dma_semaphore, #tpu.memory_space<semaphore_mem>>, %arg8: memref<!tpu.dma_semaphore, #tpu.memory_space<semaphore_mem>>, %arg9: memref<!tpu.dma_semaphore, #tpu.memory_space<semaphore_mem>>) attributes {dimension_semantics = [#tpu.dimension_semantics<core_parallel>, #tpu.dimension_semantics<subcore_parallel>], iteration_bounds = array<i64: 2, 16>, scalar_prefetch = 0 : i64, scratch_operands = 5 : i64, tpu.core_type = #tpu.core_type<sc_vector_subcore>, window_params = [{transform_indices = #map}, {transform_indices = #map1}, {transform_indices = #map}]} {
    %mul3A = arith.constant 2 : i32
    %mul3A_0 = arith.muli %arg1, %mul3A : i32
    %add3A = arith.addi %mul3A_0, %arg0 : i32
    %mul3A_1 = arith.constant 64 : i32
    %mul3A_2 = arith.muli %add3A, %mul3A_1 : i32
    %add3A_3 = arith.constant 0 : i32
    %add3A_4 = arith.addi %add3A_3, %mul3A_2 : i32
    "tpu.region"() ({
      %run_scoped3A = tpu.sem_alloc : memref<!tpu.dma_semaphore, #tpu.memory_space<semaphore_mem>>
      %dma_start3A_41 = tpu.memref_slice %arg3[%add3A_4] : memref<51200xi32, #tpu.memory_space<hbm>> -> memref<64xi32, #tpu.memory_space<hbm>>
      %dma_start3A_42 = tpu.memref_slice %arg3[%add3A_4] : memref<51200xi32, #tpu.memory_space<hbm>> -> memref<64xi32, #tpu.memory_space<hbm>>
      tpu.enqueue_dma source(%dma_start3A_42 : memref<64xi32, #tpu.memory_space<hbm>>) target(%arg5 : memref<64xi32, #tpu.memory_space<vmem>>) target_semaphore(%run_scoped3A : memref<!tpu.dma_semaphore, #tpu.memory_space<semaphore_mem>>)
      %dma_wait3A_43 = tpu.memref_slice %arg3[%add3A_4] : memref<51200xi32, #tpu.memory_space<hbm>> -> memref<64xi32, #tpu.memory_space<hbm>>
      %dma_wait3A_44 = tpu.memref_slice %arg3[%add3A_4] : memref<51200xi32, #tpu.memory_space<hbm>> -> memref<64xi32, #tpu.memory_space<hbm>>
      tpu.wait_dma2 semaphore(%run_scoped3A : memref<!tpu.dma_semaphore, #tpu.memory_space<semaphore_mem>>) src(%dma_wait3A_44 : memref<64xi32, #tpu.memory_space<hbm>>) dst(%arg5 : memref<64xi32, #tpu.memory_space<vmem>>)
      tpu.yield
    }) : () -> ()
    %dma_start3A = arith.constant 0 : i32
    %dma_start3A_5 = arith.constant 0 : i32
    %dma_start3A_6 = tpu.memref_slice %arg6[%dma_start3A, %dma_start3A_5] : memref<64x128xf32, #tpu.memory_space<vmem>> -> memref<64x128xf32, #tpu.memory_space<vmem>>
    %dma_start3A_7 = arith.constant 0 : i32
    %dma_start3A_8 = tpu.memref_slice %arg5[%dma_start3A_7] : memref<64xi32, #tpu.memory_space<vmem>> -> memref<64xi32, #tpu.memory_space<vmem>>
    %dma_start3A_9 = arith.constant 0 : i32
    %dma_start3A_10 = arith.constant 0 : i32
    %dma_start3A_11 = tpu.memref_slice %arg2[%dma_start3A_9, %dma_start3A_10] : memref<100000x128xf32, #tpu.memory_space<hbm>> -> memref<100000x128xf32, #tpu.memory_space<hbm>>
    tpu.enqueue_indirect_dma source(%dma_start3A_11 : memref<100000x128xf32, #tpu.memory_space<hbm>>) target(%dma_start3A_6 : memref<64x128xf32, #tpu.memory_space<vmem>>) offsets(%dma_start3A_8 : memref<64xi32, #tpu.memory_space<vmem>>) semaphore(%arg8 : memref<!tpu.dma_semaphore, #tpu.memory_space<semaphore_mem>>)
    %dma_wait3A = arith.constant 0 : i32
    %dma_wait3A_12 = arith.constant 0 : i32
    %dma_wait3A_13 = tpu.memref_slice %arg6[%dma_wait3A, %dma_wait3A_12] : memref<64x128xf32, #tpu.memory_space<vmem>> -> memref<64x128xf32, #tpu.memory_space<vmem>>
    %dma_wait3A_14 = arith.constant 0 : i32
    %dma_wait3A_15 = tpu.memref_slice %arg5[%dma_wait3A_14] : memref<64xi32, #tpu.memory_space<vmem>> -> memref<64xi32, #tpu.memory_space<vmem>>
    %dma_wait3A_16 = arith.constant 0 : i32
    %dma_wait3A_17 = arith.constant 0 : i32
    %dma_wait3A_18 = tpu.memref_slice %arg2[%dma_wait3A_16, %dma_wait3A_17] : memref<100000x128xf32, #tpu.memory_space<hbm>> -> memref<100000x128xf32, #tpu.memory_space<hbm>>
    tpu.wait_indirect_dma semaphore(%arg8 : memref<!tpu.dma_semaphore, #tpu.memory_space<semaphore_mem>>) src(%dma_wait3A_18 : memref<100000x128xf32, #tpu.memory_space<hbm>>) dst(%dma_wait3A_13 : memref<64x128xf32, #tpu.memory_space<vmem>>)
    %add3A_19 = arith.constant 0 : i32
    %add3A_20 = arith.addi %mul3A_2, %add3A_19 : i32
    %dma_start3A_21 = arith.constant 0 : i32
    %dma_start3A_22 = arith.constant 0 : i32
    %dma_start3A_23 = tpu.memref_slice %arg6[%dma_start3A_21, %dma_start3A_22] : memref<64x128xf32, #tpu.memory_space<vmem>> -> memref<64x128xf32, #tpu.memory_space<vmem>>
    %dma_start3A_24 = arith.constant 0 : i32
    %dma_start3A_25 = tpu.memref_slice %arg4[%add3A_20, %dma_start3A_24] : memref<2048x128xf32, #tpu.memory_space<hbm>> -> memref<64x128xf32, #tpu.memory_space<hbm>>
    %dma_start3A_26 = arith.constant 0 : i32
    %dma_start3A_27 = tpu.memref_slice %arg4[%add3A_20, %dma_start3A_26] : memref<2048x128xf32, #tpu.memory_space<hbm>> -> memref<64x128xf32, #tpu.memory_space<hbm>>
    %dma_start3A_28 = arith.constant 0 : i32
    %dma_start3A_29 = arith.constant 0 : i32
    %dma_start3A_30 = tpu.memref_slice %arg6[%dma_start3A_28, %dma_start3A_29] : memref<64x128xf32, #tpu.memory_space<vmem>> -> memref<64x128xf32, #tpu.memory_space<vmem>>
    tpu.enqueue_dma source(%dma_start3A_30 : memref<64x128xf32, #tpu.memory_space<vmem>>) target(%dma_start3A_27 : memref<64x128xf32, #tpu.memory_space<hbm>>) target_semaphore(%arg9 : memref<!tpu.dma_semaphore, #tpu.memory_space<semaphore_mem>>)
    %dma_wait3A_31 = arith.constant 0 : i32
    %dma_wait3A_32 = arith.constant 0 : i32
    %dma_wait3A_33 = tpu.memref_slice %arg6[%dma_wait3A_31, %dma_wait3A_32] : memref<64x128xf32, #tpu.memory_space<vmem>> -> memref<64x128xf32, #tpu.memory_space<vmem>>
    %dma_wait3A_34 = arith.constant 0 : i32
    %dma_wait3A_35 = tpu.memref_slice %arg4[%add3A_20, %dma_wait3A_34] : memref<2048x128xf32, #tpu.memory_space<hbm>> -> memref<64x128xf32, #tpu.memory_space<hbm>>
    %dma_wait3A_36 = arith.constant 0 : i32
    %dma_wait3A_37 = tpu.memref_slice %arg4[%add3A_20, %dma_wait3A_36] : memref<2048x128xf32, #tpu.memory_space<hbm>> -> memref<64x128xf32, #tpu.memory_space<hbm>>
    %dma_wait3A_38 = arith.constant 0 : i32
    %dma_wait3A_39 = arith.constant 0 : i32
    %dma_wait3A_40 = tpu.memref_slice %arg6[%dma_wait3A_38, %dma_wait3A_39] : memref<64x128xf32, #tpu.memory_space<vmem>> -> memref<64x128xf32, #tpu.memory_space<vmem>>
    tpu.wait_dma2 semaphore(%arg9 : memref<!tpu.dma_semaphore, #tpu.memory_space<semaphore_mem>>) src(%dma_wait3A_40 : memref<64x128xf32, #tpu.memory_space<vmem>>) dst(%dma_wait3A_37 : memref<64x128xf32, #tpu.memory_space<hbm>>)
    return
  }
}

#map = affine_map<(d0, d1) -> (0, 0)>
#map1 = affine_map<(d0, d1) -> (0)>
module attributes {stable_mosaic.version = 14 : i64} {
  func.func @gather_kernel(%arg0: i32, %arg1: i32, %arg2: memref<100000x128xf32, #tpu.memory_space<hbm>>, %arg3: memref<51200xi32, #tpu.memory_space<hbm>>, %arg4: memref<8192x128xf32, #tpu.memory_space<hbm>>, %arg5: memref<256xi32, #tpu.memory_space<vmem>>, %arg6: memref<256x128xf32, #tpu.memory_space<vmem>>, %arg7: memref<!tpu.dma_semaphore, #tpu.memory_space<semaphore_mem>>, %arg8: memref<!tpu.dma_semaphore, #tpu.memory_space<semaphore_mem>>, %arg9: memref<!tpu.dma_semaphore, #tpu.memory_space<semaphore_mem>>) attributes {dimension_semantics = [#tpu.dimension_semantics<core_parallel>, #tpu.dimension_semantics<subcore_parallel>], iteration_bounds = array<i64: 2, 16>, scalar_prefetch = 0 : i64, scratch_operands = 5 : i64, tpu.core_type = #tpu.core_type<sc_vector_subcore>, window_params = [{transform_indices = #map}, {transform_indices = #map1}, {transform_indices = #map}]} {
    %mul3A = arith.constant 2 : i32
    %mul3A_0 = arith.muli %arg1, %mul3A : i32
    %add3A = arith.addi %mul3A_0, %arg0 : i32
    %mul3A_1 = arith.constant 256 : i32
    %mul3A_2 = arith.muli %add3A, %mul3A_1 : i32
    %add3A_3 = arith.constant 2048 : i32
    %add3A_4 = arith.addi %add3A_3, %mul3A_2 : i32
    "tpu.region"() ({
      %run_scoped3A = tpu.sem_alloc : memref<!tpu.dma_semaphore, #tpu.memory_space<semaphore_mem>>
      %dma_start3A_79 = tpu.memref_slice %arg3[%add3A_4] : memref<51200xi32, #tpu.memory_space<hbm>> -> memref<256xi32, #tpu.memory_space<hbm>>
      %dma_start3A_80 = tpu.memref_slice %arg3[%add3A_4] : memref<51200xi32, #tpu.memory_space<hbm>> -> memref<256xi32, #tpu.memory_space<hbm>>
      tpu.enqueue_dma source(%dma_start3A_80 : memref<256xi32, #tpu.memory_space<hbm>>) target(%arg5 : memref<256xi32, #tpu.memory_space<vmem>>) target_semaphore(%run_scoped3A : memref<!tpu.dma_semaphore, #tpu.memory_space<semaphore_mem>>)
      %dma_wait3A_81 = tpu.memref_slice %arg3[%add3A_4] : memref<51200xi32, #tpu.memory_space<hbm>> -> memref<256xi32, #tpu.memory_space<hbm>>
      %dma_wait3A_82 = tpu.memref_slice %arg3[%add3A_4] : memref<51200xi32, #tpu.memory_space<hbm>> -> memref<256xi32, #tpu.memory_space<hbm>>
      tpu.wait_dma2 semaphore(%run_scoped3A : memref<!tpu.dma_semaphore, #tpu.memory_space<semaphore_mem>>) src(%dma_wait3A_82 : memref<256xi32, #tpu.memory_space<hbm>>) dst(%arg5 : memref<256xi32, #tpu.memory_space<vmem>>)
      tpu.yield
    }) : () -> ()
    %dma_start3A = arith.constant 0 : i32
    %dma_start3A_5 = arith.constant 0 : i32
    %dma_start3A_6 = tpu.memref_slice %arg6[%dma_start3A, %dma_start3A_5] : memref<256x128xf32, #tpu.memory_space<vmem>> -> memref<128x128xf32, #tpu.memory_space<vmem>>
    %dma_start3A_7 = arith.constant 0 : i32
    %dma_start3A_8 = tpu.memref_slice %arg5[%dma_start3A_7] : memref<256xi32, #tpu.memory_space<vmem>> -> memref<128xi32, #tpu.memory_space<vmem>>
    %dma_start3A_9 = arith.constant 0 : i32
    %dma_start3A_10 = arith.constant 0 : i32
    %dma_start3A_11 = tpu.memref_slice %arg2[%dma_start3A_9, %dma_start3A_10] : memref<100000x128xf32, #tpu.memory_space<hbm>> -> memref<100000x128xf32, #tpu.memory_space<hbm>>
    tpu.enqueue_indirect_dma source(%dma_start3A_11 : memref<100000x128xf32, #tpu.memory_space<hbm>>) target(%dma_start3A_6 : memref<128x128xf32, #tpu.memory_space<vmem>>) offsets(%dma_start3A_8 : memref<128xi32, #tpu.memory_space<vmem>>) semaphore(%arg7 : memref<!tpu.dma_semaphore, #tpu.memory_space<semaphore_mem>>)
    %dma_start3A_12 = arith.constant 128 : i32
    %dma_start3A_13 = arith.constant 0 : i32
    %dma_start3A_14 = tpu.memref_slice %arg6[%dma_start3A_12, %dma_start3A_13] : memref<256x128xf32, #tpu.memory_space<vmem>> -> memref<128x128xf32, #tpu.memory_space<vmem>>
    %dma_start3A_15 = arith.constant 128 : i32
    %dma_start3A_16 = tpu.memref_slice %arg5[%dma_start3A_15] : memref<256xi32, #tpu.memory_space<vmem>> -> memref<128xi32, #tpu.memory_space<vmem>>
    %dma_start3A_17 = arith.constant 0 : i32
    %dma_start3A_18 = arith.constant 0 : i32
    %dma_start3A_19 = tpu.memref_slice %arg2[%dma_start3A_17, %dma_start3A_18] : memref<100000x128xf32, #tpu.memory_space<hbm>> -> memref<100000x128xf32, #tpu.memory_space<hbm>>
    tpu.enqueue_indirect_dma source(%dma_start3A_19 : memref<100000x128xf32, #tpu.memory_space<hbm>>) target(%dma_start3A_14 : memref<128x128xf32, #tpu.memory_space<vmem>>) offsets(%dma_start3A_16 : memref<128xi32, #tpu.memory_space<vmem>>) semaphore(%arg8 : memref<!tpu.dma_semaphore, #tpu.memory_space<semaphore_mem>>)
    %dma_wait3A = arith.constant 0 : i32
    %dma_wait3A_20 = arith.constant 0 : i32
    %dma_wait3A_21 = tpu.memref_slice %arg6[%dma_wait3A, %dma_wait3A_20] : memref<256x128xf32, #tpu.memory_space<vmem>> -> memref<128x128xf32, #tpu.memory_space<vmem>>
    %dma_wait3A_22 = arith.constant 0 : i32
    %dma_wait3A_23 = tpu.memref_slice %arg5[%dma_wait3A_22] : memref<256xi32, #tpu.memory_space<vmem>> -> memref<128xi32, #tpu.memory_space<vmem>>
    %dma_wait3A_24 = arith.constant 0 : i32
    %dma_wait3A_25 = arith.constant 0 : i32
    %dma_wait3A_26 = tpu.memref_slice %arg2[%dma_wait3A_24, %dma_wait3A_25] : memref<100000x128xf32, #tpu.memory_space<hbm>> -> memref<100000x128xf32, #tpu.memory_space<hbm>>
    tpu.wait_indirect_dma semaphore(%arg7 : memref<!tpu.dma_semaphore, #tpu.memory_space<semaphore_mem>>) src(%dma_wait3A_26 : memref<100000x128xf32, #tpu.memory_space<hbm>>) dst(%dma_wait3A_21 : memref<128x128xf32, #tpu.memory_space<vmem>>)
    %add3A_27 = arith.constant 0 : i32
    %add3A_28 = arith.addi %mul3A_2, %add3A_27 : i32
    %dma_start3A_29 = arith.constant 0 : i32
    %dma_start3A_30 = arith.constant 0 : i32
    %dma_start3A_31 = tpu.memref_slice %arg6[%dma_start3A_29, %dma_start3A_30] : memref<256x128xf32, #tpu.memory_space<vmem>> -> memref<128x128xf32, #tpu.memory_space<vmem>>
    %dma_start3A_32 = arith.constant 0 : i32
    %dma_start3A_33 = tpu.memref_slice %arg4[%add3A_28, %dma_start3A_32] : memref<8192x128xf32, #tpu.memory_space<hbm>> -> memref<128x128xf32, #tpu.memory_space<hbm>>
    %dma_start3A_34 = arith.constant 0 : i32
    %dma_start3A_35 = tpu.memref_slice %arg4[%add3A_28, %dma_start3A_34] : memref<8192x128xf32, #tpu.memory_space<hbm>> -> memref<128x128xf32, #tpu.memory_space<hbm>>
    %dma_start3A_36 = arith.constant 0 : i32
    %dma_start3A_37 = arith.constant 0 : i32
    %dma_start3A_38 = tpu.memref_slice %arg6[%dma_start3A_36, %dma_start3A_37] : memref<256x128xf32, #tpu.memory_space<vmem>> -> memref<128x128xf32, #tpu.memory_space<vmem>>
    tpu.enqueue_dma source(%dma_start3A_38 : memref<128x128xf32, #tpu.memory_space<vmem>>) target(%dma_start3A_35 : memref<128x128xf32, #tpu.memory_space<hbm>>) target_semaphore(%arg9 : memref<!tpu.dma_semaphore, #tpu.memory_space<semaphore_mem>>)
    %dma_wait3A_39 = arith.constant 128 : i32
    %dma_wait3A_40 = arith.constant 0 : i32
    %dma_wait3A_41 = tpu.memref_slice %arg6[%dma_wait3A_39, %dma_wait3A_40] : memref<256x128xf32, #tpu.memory_space<vmem>> -> memref<128x128xf32, #tpu.memory_space<vmem>>
    %dma_wait3A_42 = arith.constant 128 : i32
    %dma_wait3A_43 = tpu.memref_slice %arg5[%dma_wait3A_42] : memref<256xi32, #tpu.memory_space<vmem>> -> memref<128xi32, #tpu.memory_space<vmem>>
    %dma_wait3A_44 = arith.constant 0 : i32
    %dma_wait3A_45 = arith.constant 0 : i32
    %dma_wait3A_46 = tpu.memref_slice %arg2[%dma_wait3A_44, %dma_wait3A_45] : memref<100000x128xf32, #tpu.memory_space<hbm>> -> memref<100000x128xf32, #tpu.memory_space<hbm>>
    tpu.wait_indirect_dma semaphore(%arg8 : memref<!tpu.dma_semaphore, #tpu.memory_space<semaphore_mem>>) src(%dma_wait3A_46 : memref<100000x128xf32, #tpu.memory_space<hbm>>) dst(%dma_wait3A_41 : memref<128x128xf32, #tpu.memory_space<vmem>>)
    %add3A_47 = arith.constant 128 : i32
    %add3A_48 = arith.addi %mul3A_2, %add3A_47 : i32
    %dma_start3A_49 = arith.constant 128 : i32
    %dma_start3A_50 = arith.constant 0 : i32
    %dma_start3A_51 = tpu.memref_slice %arg6[%dma_start3A_49, %dma_start3A_50] : memref<256x128xf32, #tpu.memory_space<vmem>> -> memref<128x128xf32, #tpu.memory_space<vmem>>
    %dma_start3A_52 = arith.constant 0 : i32
    %dma_start3A_53 = tpu.memref_slice %arg4[%add3A_48, %dma_start3A_52] : memref<8192x128xf32, #tpu.memory_space<hbm>> -> memref<128x128xf32, #tpu.memory_space<hbm>>
    %dma_start3A_54 = arith.constant 0 : i32
    %dma_start3A_55 = tpu.memref_slice %arg4[%add3A_48, %dma_start3A_54] : memref<8192x128xf32, #tpu.memory_space<hbm>> -> memref<128x128xf32, #tpu.memory_space<hbm>>
    %dma_start3A_56 = arith.constant 128 : i32
    %dma_start3A_57 = arith.constant 0 : i32
    %dma_start3A_58 = tpu.memref_slice %arg6[%dma_start3A_56, %dma_start3A_57] : memref<256x128xf32, #tpu.memory_space<vmem>> -> memref<128x128xf32, #tpu.memory_space<vmem>>
    tpu.enqueue_dma source(%dma_start3A_58 : memref<128x128xf32, #tpu.memory_space<vmem>>) target(%dma_start3A_55 : memref<128x128xf32, #tpu.memory_space<hbm>>) target_semaphore(%arg9 : memref<!tpu.dma_semaphore, #tpu.memory_space<semaphore_mem>>)
    %dma_wait3A_59 = arith.constant 0 : i32
    %dma_wait3A_60 = arith.constant 0 : i32
    %dma_wait3A_61 = tpu.memref_slice %arg6[%dma_wait3A_59, %dma_wait3A_60] : memref<256x128xf32, #tpu.memory_space<vmem>> -> memref<128x128xf32, #tpu.memory_space<vmem>>
    %dma_wait3A_62 = arith.constant 0 : i32
    %dma_wait3A_63 = tpu.memref_slice %arg4[%add3A_28, %dma_wait3A_62] : memref<8192x128xf32, #tpu.memory_space<hbm>> -> memref<128x128xf32, #tpu.memory_space<hbm>>
    %dma_wait3A_64 = arith.constant 0 : i32
    %dma_wait3A_65 = tpu.memref_slice %arg4[%add3A_28, %dma_wait3A_64] : memref<8192x128xf32, #tpu.memory_space<hbm>> -> memref<128x128xf32, #tpu.memory_space<hbm>>
    %dma_wait3A_66 = arith.constant 0 : i32
    %dma_wait3A_67 = arith.constant 0 : i32
    %dma_wait3A_68 = tpu.memref_slice %arg6[%dma_wait3A_66, %dma_wait3A_67] : memref<256x128xf32, #tpu.memory_space<vmem>> -> memref<128x128xf32, #tpu.memory_space<vmem>>
    tpu.wait_dma2 semaphore(%arg9 : memref<!tpu.dma_semaphore, #tpu.memory_space<semaphore_mem>>) src(%dma_wait3A_68 : memref<128x128xf32, #tpu.memory_space<vmem>>) dst(%dma_wait3A_65 : memref<128x128xf32, #tpu.memory_space<hbm>>)
    %dma_wait3A_69 = arith.constant 128 : i32
    %dma_wait3A_70 = arith.constant 0 : i32
    %dma_wait3A_71 = tpu.memref_slice %arg6[%dma_wait3A_69, %dma_wait3A_70] : memref<256x128xf32, #tpu.memory_space<vmem>> -> memref<128x128xf32, #tpu.memory_space<vmem>>
    %dma_wait3A_72 = arith.constant 0 : i32
    %dma_wait3A_73 = tpu.memref_slice %arg4[%add3A_48, %dma_wait3A_72] : memref<8192x128xf32, #tpu.memory_space<hbm>> -> memref<128x128xf32, #tpu.memory_space<hbm>>
    %dma_wait3A_74 = arith.constant 0 : i32
    %dma_wait3A_75 = tpu.memref_slice %arg4[%add3A_48, %dma_wait3A_74] : memref<8192x128xf32, #tpu.memory_space<hbm>> -> memref<128x128xf32, #tpu.memory_space<hbm>>
    %dma_wait3A_76 = arith.constant 128 : i32
    %dma_wait3A_77 = arith.constant 0 : i32
    %dma_wait3A_78 = tpu.memref_slice %arg6[%dma_wait3A_76, %dma_wait3A_77] : memref<256x128xf32, #tpu.memory_space<vmem>> -> memref<128x128xf32, #tpu.memory_space<vmem>>
    tpu.wait_dma2 semaphore(%arg9 : memref<!tpu.dma_semaphore, #tpu.memory_space<semaphore_mem>>) src(%dma_wait3A_78 : memref<128x128xf32, #tpu.memory_space<vmem>>) dst(%dma_wait3A_75 : memref<128x128xf32, #tpu.memory_space<hbm>>)
    return
  }
}

module attributes {stable_mosaic.version = 14 : i64} {
  func.func @body(%arg0: i32, %arg1: memref<2048x128xf32, #tpu.memory_space<vmem>>, %arg2: memref<2x1x128xf32, #tpu.memory_space<vmem>>, %arg3: memref<128x1024xf32, #tpu.memory_space<vmem>>, %arg4: memref<1x1024xf32, #tpu.memory_space<vmem>>, %arg5: memref<50x1024x1024xf32, #tpu.memory_space<any>>, %arg6: memref<2x1024x1024xf32, #tpu.memory_space<vmem>>) attributes {dimension_semantics = [#tpu.dimension_semantics<arbitrary>], iteration_bounds = array<i64: 4>, scalar_prefetch = 0 : i64, scratch_operands = 0 : i64, tpu.core_type = #tpu.core_type<tc>, window_params = [{transform_indices = @transform_0, window_bounds = array<i64: 2048, 128>}, {transform_indices = @transform_1, window_bounds = array<i64: 2, 1, 128>}, {pipeline_mode = #tpu.pipeline_mode<synchronous>, transform_indices = @transform_2, window_bounds = array<i64: 128, 1024>}, {pipeline_mode = #tpu.pipeline_mode<synchronous>, transform_indices = @transform_3, window_bounds = array<i64: 1, 1024>}, {}, {transform_indices = @transform_5, window_bounds = array<i64: 2, 1024, 1024>}]} {
    %get3A = arith.constant 0 : index
    %get3A_0 = arith.constant 0 : index
    %get3A_1 = vector.load %arg3[%get3A, %get3A_0] : memref<128x1024xf32, #tpu.memory_space<vmem>>, vector<128x1024xf32>
    %get3A_2 = arith.constant 0 : index
    %get3A_3 = arith.constant 0 : index
    %get3A_4 = vector.load %arg4[%get3A_2, %get3A_3] : memref<1x1024xf32, #tpu.memory_space<vmem>>, vector<1x1024xf32>
    %get3A_5 = arith.constant 0 : index
    %get3A_6 = arith.constant 0 : index
    %get3A_7 = vector.load %arg1[%get3A_5, %get3A_6] : memref<2048x128xf32, #tpu.memory_space<vmem>>, vector<2048x128xf32>
    %mul3A = arith.constant 11.3137083 : f32
    %mul3A_8 = vector.broadcast %mul3A : f32 to vector<2048x128xf32>
    %mul3A_9 = arith.mulf %get3A_7, %mul3A_8 : vector<2048x128xf32>
    %slice3A = vector.extract_strided_slice %mul3A_9 {offsets = [0, 0], sizes = [1024, 128], strides = [1, 1]} : vector<2048x128xf32> to vector<1024x128xf32>
    %get3A_10 = arith.constant 0 : index
    %get3A_11 = arith.constant 0 : index
    %get3A_12 = arith.constant 0 : index
    %get3A_13 = vector.load %arg2[%get3A_10, %get3A_11, %get3A_12] : memref<2x1x128xf32, #tpu.memory_space<vmem>>, vector<1x1x128xf32>
    %get3A_14 = vector.shape_cast %get3A_13 : vector<1x1x128xf32> to vector<1x128xf32>
    %add3A = vector.broadcast %get3A_14 : vector<1x128xf32> to vector<1024x128xf32>
    %add3A_15 = arith.addf %slice3A, %add3A : vector<1024x128xf32>
    %dot_general3A = arith.constant dense<0.000000e+00> : vector<1024x1024xf32>
    %dot_general3A_16 = tpu.matmul %add3A_15, %get3A_1, %dot_general3A {dimension_numbers = #tpu.dot_dimension_numbers<[1], [0], [0], [1], [0, 0, 1, 1], [], []>, transpose_lhs_hint = false} : vector<1024x128xf32>, vector<128x1024xf32>, vector<1024x1024xf32> -> vector<1024x1024xf32>
    %add3A_17 = vector.broadcast %get3A_4 : vector<1x1024xf32> to vector<1024x1024xf32>
    %add3A_18 = arith.addf %dot_general3A_16, %add3A_17 : vector<1024x1024xf32>
    %swap3A = arith.constant 0 : index
    %swap3A_19 = arith.constant 0 : index
    %swap3A_20 = arith.constant 0 : index
    %swap3A_21 = vector.load %arg6[%swap3A, %swap3A_19, %swap3A_20] : memref<2x1024x1024xf32, #tpu.memory_space<vmem>>, vector<1x1024x1024xf32>
    %swap3A_22 = vector.shape_cast %swap3A_21 : vector<1x1024x1024xf32> to vector<1024x1024xf32>
    %swap3A_23 = vector.shape_cast %add3A_18 : vector<1024x1024xf32> to vector<1x1024x1024xf32>
    tpu.vector_store %arg6[%swap3A, %swap3A_19, %swap3A_20], %swap3A_23 {strides = array<i32>} : memref<2x1024x1024xf32, #tpu.memory_space<vmem>>, vector<1x1024x1024xf32>,
    %slice3A_24 = vector.extract_strided_slice %mul3A_9 {offsets = [1024, 0], sizes = [1024, 128], strides = [1, 1]} : vector<2048x128xf32> to vector<1024x128xf32>
    %get3A_25 = arith.constant 1 : index
    %get3A_26 = arith.constant 0 : index
    %get3A_27 = arith.constant 0 : index
    %get3A_28 = vector.load %arg2[%get3A_25, %get3A_26, %get3A_27] : memref<2x1x128xf32, #tpu.memory_space<vmem>>, vector<1x1x128xf32>
    %get3A_29 = vector.shape_cast %get3A_28 : vector<1x1x128xf32> to vector<1x128xf32>
    %add3A_30 = vector.broadcast %get3A_29 : vector<1x128xf32> to vector<1024x128xf32>
    %add3A_31 = arith.addf %slice3A_24, %add3A_30 : vector<1024x128xf32>
    %dot_general3A_32 = arith.constant dense<0.000000e+00> : vector<1024x1024xf32>
    %dot_general3A_33 = tpu.matmul %add3A_31, %get3A_1, %dot_general3A_32 {dimension_numbers = #tpu.dot_dimension_numbers<[1], [0], [0], [1], [0, 0, 1, 1], [], []>, transpose_lhs_hint = false} : vector<1024x128xf32>, vector<128x1024xf32>, vector<1024x1024xf32> -> vector<1024x1024xf32>
    %add3A_34 = vector.broadcast %get3A_4 : vector<1x1024xf32> to vector<1024x1024xf32>
    %add3A_35 = arith.addf %dot_general3A_33, %add3A_34 : vector<1024x1024xf32>
    %swap3A_36 = arith.constant 1 : index
    %swap3A_37 = arith.constant 0 : index
    %swap3A_38 = arith.constant 0 : index
    %swap3A_39 = vector.load %arg6[%swap3A_36, %swap3A_37, %swap3A_38] : memref<2x1024x1024xf32, #tpu.memory_space<vmem>>, vector<1x1024x1024xf32>
    %swap3A_40 = vector.shape_cast %swap3A_39 : vector<1x1024x1024xf32> to vector<1024x1024xf32>
    %swap3A_41 = vector.shape_cast %add3A_35 : vector<1024x1024xf32> to vector<1x1024x1024xf32>
    tpu.vector_store %arg6[%swap3A_36, %swap3A_37, %swap3A_38], %swap3A_41 {strides = array<i32>} : memref<2x1024x1024xf32, #tpu.memory_space<vmem>>, vector<1x1024x1024xf32>,
    return
  }
  func.func @transform_0(%arg0: i32) -> (i32, i32) {
    %c0_i32 = arith.constant 0 : i32
    %c0_i32_0 = arith.constant 0 : i32
    return %arg0, %c0_i32 : i32, i32
  }
  func.func @transform_1(%arg0: i32) -> (i32, i32, i32) {
    %add3A = arith.constant 1 : i32
    %add3A_0 = arith.addi %arg0, %add3A : i32
    %c0_i32 = arith.constant 0 : i32
    %c0_i32_1 = arith.constant 0 : i32
    %c0_i32_2 = arith.constant 0 : i32
    return %add3A_0, %c0_i32, %c0_i32_1 : i32, i32, i32
  }
  func.func @transform_2(%arg0: i32) -> (i32, i32) {
    %c0_i32 = arith.constant 0 : i32
    %c0_i32_0 = arith.constant 0 : i32
    %c0_i32_1 = arith.constant 0 : i32
    return %c0_i32, %c0_i32_0 : i32, i32
  }
  func.func @transform_3(%arg0: i32) -> (i32, i32) {
    %c0_i32 = arith.constant 0 : i32
    %c0_i32_0 = arith.constant 0 : i32
    %c0_i32_1 = arith.constant 0 : i32
    return %c0_i32, %c0_i32_0 : i32, i32
  }
  func.func @transform_5(%arg0: i32) -> (i32, i32, i32) {
    %add3A = arith.constant 1 : i32
    %add3A_0 = arith.addi %arg0, %add3A : i32
    %c0_i32 = arith.constant 0 : i32
    %c0_i32_1 = arith.constant 0 : i32
    %c0_i32_2 = arith.constant 0 : i32
    return %add3A_0, %c0_i32, %c0_i32_1 : i32, i32, i32
  }
}

module attributes {stable_mosaic.version = 14 : i64} {
  func.func @compute(%arg0: i32, %arg1: memref<2048x128xf32, #tpu.memory_space<vmem>>, %arg2: memref<2x1x128xf32, #tpu.memory_space<vmem>>, %arg3: memref<128x1024xf32, #tpu.memory_space<vmem>>, %arg4: memref<1x1024xf32, #tpu.memory_space<vmem>>, %arg5: memref<2x1024x1024xf32, #tpu.memory_space<vmem>>) attributes {dimension_semantics = [#tpu.dimension_semantics<arbitrary>], iteration_bounds = array<i64: 1>, scalar_prefetch = 0 : i64, scratch_operands = 0 : i64, tpu.core_type = #tpu.core_type<tc>, window_params = [{transform_indices = @transform_0, window_bounds = array<i64: 2048, 128>}, {transform_indices = @transform_1, window_bounds = array<i64: 2, 1, 128>}, {pipeline_mode = #tpu.pipeline_mode<synchronous>, transform_indices = @transform_2, window_bounds = array<i64: 128, 1024>}, {pipeline_mode = #tpu.pipeline_mode<synchronous>, transform_indices = @transform_3, window_bounds = array<i64: 1, 1024>}, {transform_indices = @transform_4, window_bounds = array<i64: 2, 1024, 1024>}]} {
    %get3A = arith.constant 0 : index
    %get3A_0 = arith.constant 0 : index
    %get3A_1 = vector.load %arg3[%get3A, %get3A_0] : memref<128x1024xf32, #tpu.memory_space<vmem>>, vector<128x1024xf32>
    %get3A_2 = arith.constant 0 : index
    %get3A_3 = arith.constant 0 : index
    %get3A_4 = vector.load %arg4[%get3A_2, %get3A_3] : memref<1x1024xf32, #tpu.memory_space<vmem>>, vector<1x1024xf32>
    %get3A_5 = arith.constant 0 : index
    %get3A_6 = arith.constant 0 : index
    %get3A_7 = vector.load %arg1[%get3A_5, %get3A_6] : memref<2048x128xf32, #tpu.memory_space<vmem>>, vector<2048x128xf32>
    %mul3A = arith.constant 11.3137083 : f32
    %mul3A_8 = vector.broadcast %mul3A : f32 to vector<2048x128xf32>
    %mul3A_9 = arith.mulf %get3A_7, %mul3A_8 : vector<2048x128xf32>
    %slice3A = vector.extract_strided_slice %mul3A_9 {offsets = [0, 0], sizes = [1024, 128], strides = [1, 1]} : vector<2048x128xf32> to vector<1024x128xf32>
    %get3A_10 = arith.constant 0 : index
    %get3A_11 = arith.constant 0 : index
    %get3A_12 = arith.constant 0 : index
    %get3A_13 = vector.load %arg2[%get3A_10, %get3A_11, %get3A_12] : memref<2x1x128xf32, #tpu.memory_space<vmem>>, vector<1x1x128xf32>
    %get3A_14 = vector.shape_cast %get3A_13 : vector<1x1x128xf32> to vector<1x128xf32>
    %add3A = vector.broadcast %get3A_14 : vector<1x128xf32> to vector<1024x128xf32>
    %add3A_15 = arith.addf %slice3A, %add3A : vector<1024x128xf32>
    %dot_general3A = arith.constant dense<0.000000e+00> : vector<1024x1024xf32>
    %dot_general3A_16 = tpu.matmul %add3A_15, %get3A_1, %dot_general3A {dimension_numbers = #tpu.dot_dimension_numbers<[1], [0], [0], [1], [0, 0, 1, 1], [], []>, transpose_lhs_hint = false} : vector<1024x128xf32>, vector<128x1024xf32>, vector<1024x1024xf32> -> vector<1024x1024xf32>
    %add3A_17 = vector.broadcast %get3A_4 : vector<1x1024xf32> to vector<1024x1024xf32>
    %add3A_18 = arith.addf %dot_general3A_16, %add3A_17 : vector<1024x1024xf32>
    %swap3A = arith.constant 0 : index
    %swap3A_19 = arith.constant 0 : index
    %swap3A_20 = arith.constant 0 : index
    %swap3A_21 = vector.load %arg5[%swap3A, %swap3A_19, %swap3A_20] : memref<2x1024x1024xf32, #tpu.memory_space<vmem>>, vector<1x1024x1024xf32>
    %swap3A_22 = vector.shape_cast %swap3A_21 : vector<1x1024x1024xf32> to vector<1024x1024xf32>
    %swap3A_23 = vector.shape_cast %add3A_18 : vector<1024x1024xf32> to vector<1x1024x1024xf32>
    tpu.vector_store %arg5[%swap3A, %swap3A_19, %swap3A_20], %swap3A_23 {strides = array<i32>} : memref<2x1024x1024xf32, #tpu.memory_space<vmem>>, vector<1x1024x1024xf32>,
    %slice3A_24 = vector.extract_strided_slice %mul3A_9 {offsets = [1024, 0], sizes = [1024, 128], strides = [1, 1]} : vector<2048x128xf32> to vector<1024x128xf32>
    %get3A_25 = arith.constant 1 : index
    %get3A_26 = arith.constant 0 : index
    %get3A_27 = arith.constant 0 : index
    %get3A_28 = vector.load %arg2[%get3A_25, %get3A_26, %get3A_27] : memref<2x1x128xf32, #tpu.memory_space<vmem>>, vector<1x1x128xf32>
    %get3A_29 = vector.shape_cast %get3A_28 : vector<1x1x128xf32> to vector<1x128xf32>
    %add3A_30 = vector.broadcast %get3A_29 : vector<1x128xf32> to vector<1024x128xf32>
    %add3A_31 = arith.addf %slice3A_24, %add3A_30 : vector<1024x128xf32>
    %dot_general3A_32 = arith.constant dense<0.000000e+00> : vector<1024x1024xf32>
    %dot_general3A_33 = tpu.matmul %add3A_31, %get3A_1, %dot_general3A_32 {dimension_numbers = #tpu.dot_dimension_numbers<[1], [0], [0], [1], [0, 0, 1, 1], [], []>, transpose_lhs_hint = false} : vector<1024x128xf32>, vector<128x1024xf32>, vector<1024x1024xf32> -> vector<1024x1024xf32>
    %add3A_34 = vector.broadcast %get3A_4 : vector<1x1024xf32> to vector<1024x1024xf32>
    %add3A_35 = arith.addf %dot_general3A_33, %add3A_34 : vector<1024x1024xf32>
    %swap3A_36 = arith.constant 1 : index
    %swap3A_37 = arith.constant 0 : index
    %swap3A_38 = arith.constant 0 : index
    %swap3A_39 = vector.load %arg5[%swap3A_36, %swap3A_37, %swap3A_38] : memref<2x1024x1024xf32, #tpu.memory_space<vmem>>, vector<1x1024x1024xf32>
    %swap3A_40 = vector.shape_cast %swap3A_39 : vector<1x1024x1024xf32> to vector<1024x1024xf32>
    %swap3A_41 = vector.shape_cast %add3A_35 : vector<1024x1024xf32> to vector<1x1024x1024xf32>
    tpu.vector_store %arg5[%swap3A_36, %swap3A_37, %swap3A_38], %swap3A_41 {strides = array<i32>} : memref<2x1024x1024xf32, #tpu.memory_space<vmem>>, vector<1x1024x1024xf32>,
    return
  }
  func.func @transform_0(%arg0: i32) -> (i32, i32) {
    %c0_i32 = arith.constant 0 : i32
    %c0_i32_0 = arith.constant 0 : i32
    return %arg0, %c0_i32 : i32, i32
  }
  func.func @transform_1(%arg0: i32) -> (i32, i32, i32) {
    %add3A = arith.constant 0 : i32
    %add3A_0 = arith.addi %arg0, %add3A : i32
    %c0_i32 = arith.constant 0 : i32
    %c0_i32_1 = arith.constant 0 : i32
    %c0_i32_2 = arith.constant 0 : i32
    return %add3A_0, %c0_i32, %c0_i32_1 : i32, i32, i32
  }
  func.func @transform_2(%arg0: i32) -> (i32, i32) {
    %c0_i32 = arith.constant 0 : i32
    %c0_i32_0 = arith.constant 0 : i32
    %c0_i32_1 = arith.constant 0 : i32
    return %c0_i32, %c0_i32_0 : i32, i32
  }
  func.func @transform_3(%arg0: i32) -> (i32, i32) {
    %c0_i32 = arith.constant 0 : i32
    %c0_i32_0 = arith.constant 0 : i32
    %c0_i32_1 = arith.constant 0 : i32
    return %c0_i32, %c0_i32_0 : i32, i32
  }
  func.func @transform_4(%arg0: i32) -> (i32, i32, i32) {
    %add3A = arith.constant 0 : i32
    %add3A_0 = arith.addi %arg0, %add3A : i32
    %c0_i32 = arith.constant 0 : i32
    %c0_i32_1 = arith.constant 0 : i32
    %c0_i32_2 = arith.constant 0 : i32
    return %add3A_0, %c0_i32, %c0_i32_1 : i32, i32, i32
  }
}

module attributes {stable_mosaic.version = 14 : i64} {
  func.func @body(%arg0: i32, %arg1: memref<2048x128xf32, #tpu.memory_space<vmem>>, %arg2: memref<2x1x128xf32, #tpu.memory_space<vmem>>, %arg3: memref<128x1024xf32, #tpu.memory_space<vmem>>, %arg4: memref<1x1024xf32, #tpu.memory_space<vmem>>, %arg5: memref<50x1024x1024xf32, #tpu.memory_space<any>>, %arg6: memref<2x1024x1024xf32, #tpu.memory_space<vmem>>) attributes {dimension_semantics = [#tpu.dimension_semantics<arbitrary>], iteration_bounds = array<i64: 13>, scalar_prefetch = 0 : i64, scratch_operands = 0 : i64, tpu.core_type = #tpu.core_type<tc>, window_params = [{transform_indices = @transform_0, window_bounds = array<i64: 2048, 128>}, {transform_indices = @transform_1, window_bounds = array<i64: 2, 1, 128>}, {pipeline_mode = #tpu.pipeline_mode<synchronous>, transform_indices = @transform_2, window_bounds = array<i64: 128, 1024>}, {pipeline_mode = #tpu.pipeline_mode<synchronous>, transform_indices = @transform_3, window_bounds = array<i64: 1, 1024>}, {}, {transform_indices = @transform_5, window_bounds = array<i64: 2, 1024, 1024>}]} {
    %get3A = arith.constant 0 : index
    %get3A_0 = arith.constant 0 : index
    %get3A_1 = vector.load %arg3[%get3A, %get3A_0] : memref<128x1024xf32, #tpu.memory_space<vmem>>, vector<128x1024xf32>
    %get3A_2 = arith.constant 0 : index
    %get3A_3 = arith.constant 0 : index
    %get3A_4 = vector.load %arg4[%get3A_2, %get3A_3] : memref<1x1024xf32, #tpu.memory_space<vmem>>, vector<1x1024xf32>
    %get3A_5 = arith.constant 0 : index
    %get3A_6 = arith.constant 0 : index
    %get3A_7 = vector.load %arg1[%get3A_5, %get3A_6] : memref<2048x128xf32, #tpu.memory_space<vmem>>, vector<2048x128xf32>
    %mul3A = arith.constant 11.3137083 : f32
    %mul3A_8 = vector.broadcast %mul3A : f32 to vector<2048x128xf32>
    %mul3A_9 = arith.mulf %get3A_7, %mul3A_8 : vector<2048x128xf32>
    %slice3A = vector.extract_strided_slice %mul3A_9 {offsets = [0, 0], sizes = [1024, 128], strides = [1, 1]} : vector<2048x128xf32> to vector<1024x128xf32>
    %get3A_10 = arith.constant 0 : index
    %get3A_11 = arith.constant 0 : index
    %get3A_12 = arith.constant 0 : index
    %get3A_13 = vector.load %arg2[%get3A_10, %get3A_11, %get3A_12] : memref<2x1x128xf32, #tpu.memory_space<vmem>>, vector<1x1x128xf32>
    %get3A_14 = vector.shape_cast %get3A_13 : vector<1x1x128xf32> to vector<1x128xf32>
    %add3A = vector.broadcast %get3A_14 : vector<1x128xf32> to vector<1024x128xf32>
    %add3A_15 = arith.addf %slice3A, %add3A : vector<1024x128xf32>
    %dot_general3A = arith.constant dense<0.000000e+00> : vector<1024x1024xf32>
    %dot_general3A_16 = tpu.matmul %add3A_15, %get3A_1, %dot_general3A {dimension_numbers = #tpu.dot_dimension_numbers<[1], [0], [0], [1], [0, 0, 1, 1], [], []>, transpose_lhs_hint = false} : vector<1024x128xf32>, vector<128x1024xf32>, vector<1024x1024xf32> -> vector<1024x1024xf32>
    %add3A_17 = vector.broadcast %get3A_4 : vector<1x1024xf32> to vector<1024x1024xf32>
    %add3A_18 = arith.addf %dot_general3A_16, %add3A_17 : vector<1024x1024xf32>
    %swap3A = arith.constant 0 : index
    %swap3A_19 = arith.constant 0 : index
    %swap3A_20 = arith.constant 0 : index
    %swap3A_21 = vector.load %arg6[%swap3A, %swap3A_19, %swap3A_20] : memref<2x1024x1024xf32, #tpu.memory_space<vmem>>, vector<1x1024x1024xf32>
    %swap3A_22 = vector.shape_cast %swap3A_21 : vector<1x1024x1024xf32> to vector<1024x1024xf32>
    %swap3A_23 = vector.shape_cast %add3A_18 : vector<1024x1024xf32> to vector<1x1024x1024xf32>
    tpu.vector_store %arg6[%swap3A, %swap3A_19, %swap3A_20], %swap3A_23 {strides = array<i32>} : memref<2x1024x1024xf32, #tpu.memory_space<vmem>>, vector<1x1024x1024xf32>,
    %slice3A_24 = vector.extract_strided_slice %mul3A_9 {offsets = [1024, 0], sizes = [1024, 128], strides = [1, 1]} : vector<2048x128xf32> to vector<1024x128xf32>
    %get3A_25 = arith.constant 1 : index
    %get3A_26 = arith.constant 0 : index
    %get3A_27 = arith.constant 0 : index
    %get3A_28 = vector.load %arg2[%get3A_25, %get3A_26, %get3A_27] : memref<2x1x128xf32, #tpu.memory_space<vmem>>, vector<1x1x128xf32>
    %get3A_29 = vector.shape_cast %get3A_28 : vector<1x1x128xf32> to vector<1x128xf32>
    %add3A_30 = vector.broadcast %get3A_29 : vector<1x128xf32> to vector<1024x128xf32>
    %add3A_31 = arith.addf %slice3A_24, %add3A_30 : vector<1024x128xf32>
    %dot_general3A_32 = arith.constant dense<0.000000e+00> : vector<1024x1024xf32>
    %dot_general3A_33 = tpu.matmul %add3A_31, %get3A_1, %dot_general3A_32 {dimension_numbers = #tpu.dot_dimension_numbers<[1], [0], [0], [1], [0, 0, 1, 1], [], []>, transpose_lhs_hint = false} : vector<1024x128xf32>, vector<128x1024xf32>, vector<1024x1024xf32> -> vector<1024x1024xf32>
    %add3A_34 = vector.broadcast %get3A_4 : vector<1x1024xf32> to vector<1024x1024xf32>
    %add3A_35 = arith.addf %dot_general3A_33, %add3A_34 : vector<1024x1024xf32>
    %swap3A_36 = arith.constant 1 : index
    %swap3A_37 = arith.constant 0 : index
    %swap3A_38 = arith.constant 0 : index
    %swap3A_39 = vector.load %arg6[%swap3A_36, %swap3A_37, %swap3A_38] : memref<2x1024x1024xf32, #tpu.memory_space<vmem>>, vector<1x1024x1024xf32>
    %swap3A_40 = vector.shape_cast %swap3A_39 : vector<1x1024x1024xf32> to vector<1024x1024xf32>
    %swap3A_41 = vector.shape_cast %add3A_35 : vector<1024x1024xf32> to vector<1x1024x1024xf32>
    tpu.vector_store %arg6[%swap3A_36, %swap3A_37, %swap3A_38], %swap3A_41 {strides = array<i32>} : memref<2x1024x1024xf32, #tpu.memory_space<vmem>>, vector<1x1024x1024xf32>,
    return
  }
  func.func @transform_0(%arg0: i32) -> (i32, i32) {
    %c0_i32 = arith.constant 0 : i32
    %c0_i32_0 = arith.constant 0 : i32
    return %arg0, %c0_i32 : i32, i32
  }
  func.func @transform_1(%arg0: i32) -> (i32, i32, i32) {
    %add3A = arith.constant 12 : i32
    %add3A_0 = arith.addi %arg0, %add3A : i32
    %c0_i32 = arith.constant 0 : i32
    %c0_i32_1 = arith.constant 0 : i32
    %c0_i32_2 = arith.constant 0 : i32
    return %add3A_0, %c0_i32, %c0_i32_1 : i32, i32, i32
  }
  func.func @transform_2(%arg0: i32) -> (i32, i32) {
    %c0_i32 = arith.constant 0 : i32
    %c0_i32_0 = arith.constant 0 : i32
    %c0_i32_1 = arith.constant 0 : i32
    return %c0_i32, %c0_i32_0 : i32, i32
  }
  func.func @transform_3(%arg0: i32) -> (i32, i32) {
    %c0_i32 = arith.constant 0 : i32
    %c0_i32_0 = arith.constant 0 : i32
    %c0_i32_1 = arith.constant 0 : i32
    return %c0_i32, %c0_i32_0 : i32, i32
  }
  func.func @transform_5(%arg0: i32) -> (i32, i32, i32) {
    %add3A = arith.constant 12 : i32
    %add3A_0 = arith.addi %arg0, %add3A : i32
    %c0_i32 = arith.constant 0 : i32
    %c0_i32_1 = arith.constant 0 : i32
    %c0_i32_2 = arith.constant 0 : i32
    return %add3A_0, %c0_i32, %c0_i32_1 : i32, i32, i32
  }
}

module attributes {stable_mosaic.version = 14 : i64} {
  func.func @body(%arg0: i32, %arg1: memref<2048x128xf32, #tpu.memory_space<vmem>>, %arg2: memref<2x1x128xf32, #tpu.memory_space<vmem>>, %arg3: memref<128x1024xf32, #tpu.memory_space<vmem>>, %arg4: memref<1x1024xf32, #tpu.memory_space<vmem>>, %arg5: memref<50x1024x1024xf32, #tpu.memory_space<any>>, %arg6: memref<2x1024x1024xf32, #tpu.memory_space<vmem>>) attributes {dimension_semantics = [#tpu.dimension_semantics<arbitrary>], iteration_bounds = array<i64: 7>, scalar_prefetch = 0 : i64, scratch_operands = 0 : i64, tpu.core_type = #tpu.core_type<tc>, window_params = [{transform_indices = @transform_0, window_bounds = array<i64: 2048, 128>}, {transform_indices = @transform_1, window_bounds = array<i64: 2, 1, 128>}, {pipeline_mode = #tpu.pipeline_mode<synchronous>, transform_indices = @transform_2, window_bounds = array<i64: 128, 1024>}, {pipeline_mode = #tpu.pipeline_mode<synchronous>, transform_indices = @transform_3, window_bounds = array<i64: 1, 1024>}, {}, {transform_indices = @transform_5, window_bounds = array<i64: 2, 1024, 1024>}]} {
    %get3A = arith.constant 0 : index
    %get3A_0 = arith.constant 0 : index
    %get3A_1 = vector.load %arg3[%get3A, %get3A_0] : memref<128x1024xf32, #tpu.memory_space<vmem>>, vector<128x1024xf32>
    %get3A_2 = arith.constant 0 : index
    %get3A_3 = arith.constant 0 : index
    %get3A_4 = vector.load %arg4[%get3A_2, %get3A_3] : memref<1x1024xf32, #tpu.memory_space<vmem>>, vector<1x1024xf32>
    %get3A_5 = arith.constant 0 : index
    %get3A_6 = arith.constant 0 : index
    %get3A_7 = vector.load %arg1[%get3A_5, %get3A_6] : memref<2048x128xf32, #tpu.memory_space<vmem>>, vector<2048x128xf32>
    %mul3A = arith.constant 11.3137083 : f32
    %mul3A_8 = vector.broadcast %mul3A : f32 to vector<2048x128xf32>
    %mul3A_9 = arith.mulf %get3A_7, %mul3A_8 : vector<2048x128xf32>
    %slice3A = vector.extract_strided_slice %mul3A_9 {offsets = [0, 0], sizes = [1024, 128], strides = [1, 1]} : vector<2048x128xf32> to vector<1024x128xf32>
    %get3A_10 = arith.constant 0 : index
    %get3A_11 = arith.constant 0 : index
    %get3A_12 = arith.constant 0 : index
    %get3A_13 = vector.load %arg2[%get3A_10, %get3A_11, %get3A_12] : memref<2x1x128xf32, #tpu.memory_space<vmem>>, vector<1x1x128xf32>
    %get3A_14 = vector.shape_cast %get3A_13 : vector<1x1x128xf32> to vector<1x128xf32>
    %add3A = vector.broadcast %get3A_14 : vector<1x128xf32> to vector<1024x128xf32>
    %add3A_15 = arith.addf %slice3A, %add3A : vector<1024x128xf32>
    %dot_general3A = arith.constant dense<0.000000e+00> : vector<1024x1024xf32>
    %dot_general3A_16 = tpu.matmul %add3A_15, %get3A_1, %dot_general3A {dimension_numbers = #tpu.dot_dimension_numbers<[1], [0], [0], [1], [0, 0, 1, 1], [], []>, transpose_lhs_hint = false} : vector<1024x128xf32>, vector<128x1024xf32>, vector<1024x1024xf32> -> vector<1024x1024xf32>
    %add3A_17 = vector.broadcast %get3A_4 : vector<1x1024xf32> to vector<1024x1024xf32>
    %add3A_18 = arith.addf %dot_general3A_16, %add3A_17 : vector<1024x1024xf32>
    %swap3A = arith.constant 0 : index
    %swap3A_19 = arith.constant 0 : index
    %swap3A_20 = arith.constant 0 : index
    %swap3A_21 = vector.load %arg6[%swap3A, %swap3A_19, %swap3A_20] : memref<2x1024x1024xf32, #tpu.memory_space<vmem>>, vector<1x1024x1024xf32>
    %swap3A_22 = vector.shape_cast %swap3A_21 : vector<1x1024x1024xf32> to vector<1024x1024xf32>
    %swap3A_23 = vector.shape_cast %add3A_18 : vector<1024x1024xf32> to vector<1x1024x1024xf32>
    tpu.vector_store %arg6[%swap3A, %swap3A_19, %swap3A_20], %swap3A_23 {strides = array<i32>} : memref<2x1024x1024xf32, #tpu.memory_space<vmem>>, vector<1x1024x1024xf32>,
    %slice3A_24 = vector.extract_strided_slice %mul3A_9 {offsets = [1024, 0], sizes = [1024, 128], strides = [1, 1]} : vector<2048x128xf32> to vector<1024x128xf32>
    %get3A_25 = arith.constant 1 : index
    %get3A_26 = arith.constant 0 : index
    %get3A_27 = arith.constant 0 : index
    %get3A_28 = vector.load %arg2[%get3A_25, %get3A_26, %get3A_27] : memref<2x1x128xf32, #tpu.memory_space<vmem>>, vector<1x1x128xf32>
    %get3A_29 = vector.shape_cast %get3A_28 : vector<1x1x128xf32> to vector<1x128xf32>
    %add3A_30 = vector.broadcast %get3A_29 : vector<1x128xf32> to vector<1024x128xf32>
    %add3A_31 = arith.addf %slice3A_24, %add3A_30 : vector<1024x128xf32>
    %dot_general3A_32 = arith.constant dense<0.000000e+00> : vector<1024x1024xf32>
    %dot_general3A_33 = tpu.matmul %add3A_31, %get3A_1, %dot_general3A_32 {dimension_numbers = #tpu.dot_dimension_numbers<[1], [0], [0], [1], [0, 0, 1, 1], [], []>, transpose_lhs_hint = false} : vector<1024x128xf32>, vector<128x1024xf32>, vector<1024x1024xf32> -> vector<1024x1024xf32>
    %add3A_34 = vector.broadcast %get3A_4 : vector<1x1024xf32> to vector<1024x1024xf32>
    %add3A_35 = arith.addf %dot_general3A_33, %add3A_34 : vector<1024x1024xf32>
    %swap3A_36 = arith.constant 1 : index
    %swap3A_37 = arith.constant 0 : index
    %swap3A_38 = arith.constant 0 : index
    %swap3A_39 = vector.load %arg6[%swap3A_36, %swap3A_37, %swap3A_38] : memref<2x1024x1024xf32, #tpu.memory_space<vmem>>, vector<1x1024x1024xf32>
    %swap3A_40 = vector.shape_cast %swap3A_39 : vector<1x1024x1024xf32> to vector<1024x1024xf32>
    %swap3A_41 = vector.shape_cast %add3A_35 : vector<1024x1024xf32> to vector<1x1024x1024xf32>
    tpu.vector_store %arg6[%swap3A_36, %swap3A_37, %swap3A_38], %swap3A_41 {strides = array<i32>} : memref<2x1024x1024xf32, #tpu.memory_space<vmem>>, vector<1x1024x1024xf32>,
    return
  }
  func.func @transform_0(%arg0: i32) -> (i32, i32) {
    %c0_i32 = arith.constant 0 : i32
    %c0_i32_0 = arith.constant 0 : i32
    return %arg0, %c0_i32 : i32, i32
  }
  func.func @transform_1(%arg0: i32) -> (i32, i32, i32) {
    %add3A = arith.constant 5 : i32
    %add3A_0 = arith.addi %arg0, %add3A : i32
    %c0_i32 = arith.constant 0 : i32
    %c0_i32_1 = arith.constant 0 : i32
    %c0_i32_2 = arith.constant 0 : i32
    return %add3A_0, %c0_i32, %c0_i32_1 : i32, i32, i32
  }
  func.func @transform_2(%arg0: i32) -> (i32, i32) {
    %c0_i32 = arith.constant 0 : i32
    %c0_i32_0 = arith.constant 0 : i32
    %c0_i32_1 = arith.constant 0 : i32
    return %c0_i32, %c0_i32_0 : i32, i32
  }
  func.func @transform_3(%arg0: i32) -> (i32, i32) {
    %c0_i32 = arith.constant 0 : i32
    %c0_i32_0 = arith.constant 0 : i32
    %c0_i32_1 = arith.constant 0 : i32
    return %c0_i32, %c0_i32_0 : i32, i32
  }
  func.func @transform_5(%arg0: i32) -> (i32, i32, i32) {
    %add3A = arith.constant 5 : i32
    %add3A_0 = arith.addi %arg0, %add3A : i32
    %c0_i32 = arith.constant 0 : i32
    %c0_i32_1 = arith.constant 0 : i32
    %c0_i32_2 = arith.constant 0 : i32
    return %add3A_0, %c0_i32, %c0_i32_1 : i32, i32, i32
  }
}

</mosaic_0001>

<sc_bundles>
// kernel: kernel.10.cloned.1.call-start
scs
__scs_entry_jumppad:
0x0: {  	(pc) =	sbr.rel $0x88, $3  }
0x1: {  	(tag) =	ssettag $0x0;
	lr =	simm.s32 $0x1  }
0x2: {  	[smem:$0x3F9C] =	sst lr;
	_ =	strace $0xD0000000  }
0x3: {  	_ = 	snop  }
0x4: {  	_ = 	snop  }
0x5: {  	_ = 	snop  }
0x6: {  	_ = 	snop  }
0x7: {  	_ = 	snop  }
__scs_overlays_trampoline_lowered:
0x8: {  	[smem:$0x3FAB] =	sst s0  }
0x9: {  	[smem:$0x3FAC] =	sst s1  }
0xa: {  	[smem:$0x3FAD] =	sst s2  }
0xb: {  	[smem:$0x3FAE] =	sst s3  }
0xc: {  	[smem:$0x3FAF] =	sst s4  }
0xd: {  	[smem:$0x3FB0] =	sst s5  }
0xe: {  	[smem:$0x3FB1] =	sst s6  }
0xf: {  	[smem:$0x3FB2] =	sst s7  }
0x10: {  	[smem:$0x3FB3] =	sst s8  }
0x11: {  	[smem:$0x3FB4] =	sst s9;
	s0 =	simm.s32 @!p0 $0x0  }
0x12: {  	s1 =	sld [smem:$0x3F9A];
	s0 =	simm.s32 @p0 $0x1  }
0x13: {  	[smem:$0x3FB5] =	sst s0;
	s0 =	simm.s32 @!p1 $0x0  }
0x14: {  	s2 =	sld [smem:$0x3F99];
	s0 =	simm.s32 @p1 $0x1  }
0x15: {  	[smem:$0x3FB6] =	sst s0;
	s0 =	simm.s32 @!p2 $0x0  }
0x16: {  	s3 =	sld [smem:$0x3FDB];
	s0 =	simm.s32 @p2 $0x1  }
0x17: {  	s4 =	simm.s32 $0x1BF5;
	[smem:$0x3FB8] =	sst s0  }
0x18: {  	s0 =	sld [smem:$0x3F9B];
	_ =	swait.ge [sflag:s4], $0x0  }
0x19: {  	s7 =	sld [smem:$0x3F9C]  }
0x1a: {  	s8 =	sadd.s32 $0xFFFFE003, lr  }
0x1b: {  	s9 =	sadd.s32 $0xFFFFFEF7, lr;
	s5 =	simm.s32 $0xFFFFFFFF;
	p2 =	slt.u32 s8, $0xFFFFF086  }
0x1c: {  	p1 =	slt.u32 s9, $0xF7A;
	s5 =	simm.s32 @!p2 $0x0  }
0x1d: {  	s5 =	simm.s32 @p1 $0x1;
	p0 =	seq.s32 s7, s2  }
0x1e: {  	s7 =	smul.u32 @!p0 $0xF7A, s2;
	p2 =	seq.s32 @!p0 s5, $0x0  }
0x1f: {  	s9 =	smul.u32 $0xF7A, s1;
	s8 =	simm.s32 @!p0 $0x1BF5;
	p2 =	por !p2, p0  }
0x20: {  	[sflag:s8] =	ssyncset.s32 @!p0 $0xFFFFF086;
	s6 =	sadd.s32 @!p0 s3, s7;
	s7 =	simm.s32 @!p0 $0x108  }
0x21: {  	s3 =	sadd.s32 s3, s9;
	s6 =	sadd.s32 @!p0 $0x88, s6;
	s7 =	simm.s32 @p2 $0x1082  }
0x22: {  	[simem:s7], [sflag:s8] =	dma.local @!p0 [hbm:s6], $0xF7A  }
0x23: {  	s9 =	sor.u32 $0xD0000000, s2;
	s6 =	simm.s32 $0x108;
	_ =	swait.ge @!p0 [sflag:s8], $0x0  }
0x24: {  	s3 =	sadd.s32 $0x88, s3;
	s6 =	simm.s32 @!p1 $0x1082;
	[sflag:s4] =	ssyncset.s32 $0xFFFFF086  }
0x25: {  	[simem:s6], [sflag:s4] =	dma.local [hbm:s3], $0xF7A  }
0x26: {  	[smem:$0x3F9C] =	sst s1;
	(tag) =	ssettag s2;
	_ =	strace s9  }
0x27: {  	s1 =	sld [smem:$0x3FAC]  }
0x28: {  	s2 =	sld [smem:$0x3FAD]  }
0x29: {  	s4 =	sld [smem:$0x3FAF]  }
0x2a: {  	p0 =	seq.s32 s5, $0x0;
	s5 =	sld [smem:$0x3FB0]  }
0x2b: {  	s6 =	sld [smem:$0x3FB1]  }
0x2c: {  	s7 =	sld [smem:$0x3FB2]  }
0x2d: {  	s3 =	simm.s32 $0x108;
	s8 =	sld [smem:$0x3FB3]  }
0x2e: {  	s3 =	simm.s32 @!p0 $0x1082;
	s9 =	sld [smem:$0x3FB4]  }
0x2f: {  	lr =	sadd.s32 s0, s3;
	s0 =	sld [smem:$0x3FAB]  }
0x30: {  	s3 =	sld [smem:$0x3FAE]  }
0x31: {  	[smem:$0x3FB7] =	sst s10  }
0x32: {  	s10 =	sld [smem:$0x3FB5];
	_ =	sdelay $0x3  }
0x33: {  	p0 =	seq.s32 s10, $0x1;
	s10 =	sld [smem:$0x3FB7];
	_ =	sdelay $0x3  }
0x34: {  	[smem:$0x3FB7] =	sst s10  }
0x35: {  	s10 =	sld [smem:$0x3FB6];
	_ =	sdelay $0x3  }
0x36: {  	p1 =	seq.s32 s10, $0x1;
	s10 =	sld [smem:$0x3FB7];
	_ =	sdelay $0x3  }
0x37: {  	[smem:$0x3FB7] =	sst s10  }
0x38: {  	s10 =	sld [smem:$0x3FB8]  }
0x39: {  	_ = 	snop;
	(pc) =	sbr.ind lr, $3  }
0x3a: {  	_ = 	snop  }
0x3b: {  	_ = 	snop  }
0x3c: {  	p2 =	seq.s32 s10, $0x1;
	s10 =	sld [smem:$0x3FB7]  }
0x3d: {  	_ =	shalt  }
0x3e: {  	_ =	shalt  }
0x3f: {  	_ =	shalt  }
0x40: {  	_ =	shalt  }
0x41: {  	_ =	shalt  }
0x42: {  	_ =	shalt  }
0x43: {  	_ =	shalt  }
0x44: {  	_ =	shalt  }
0x45: {  	_ =	shalt  }
0x46: {  	_ =	shalt  }
0x47: {  	_ =	shalt  }
0x48: {  	_ =	shalt  }
0x49: {  	_ =	shalt  }
0x4a: {  	_ =	shalt  }
0x4b: {  	_ =	shalt  }
0x4c: {  	_ =	shalt  }
0x4d: {  	_ =	shalt  }
0x4e: {  	_ =	shalt  }
0x4f: {  	_ =	shalt  }
0x50: {  	_ =	shalt  }
0x51: {  	_ =	shalt  }
0x52: {  	_ =	shalt  }
0x53: {  	_ =	shalt  }
0x54: {  	_ =	shalt  }
0x55: {  	_ =	shalt  }
0x56: {  	_ =	shalt  }
0x57: {  	_ =	shalt  }
0x58: {  	_ =	shalt  }
0x59: {  	_ =	shalt  }
0x5a: {  	_ =	shalt  }
0x5b: {  	_ =	shalt  }
0x5c: {  	_ =	shalt  }
0x5d: {  	_ =	shalt  }
0x5e: {  	_ =	shalt  }
0x5f: {  	_ =	shalt  }
0x60: {  	_ =	shalt  }
0x61: {  	_ =	shalt  }
0x62: {  	_ =	shalt  }
0x63: {  	_ =	shalt  }
0x64: {  	_ =	shalt  }
0x65: {  	_ =	shalt  }
0x66: {  	_ =	shalt  }
0x67: {  	_ =	shalt  }
0x68: {  	_ =	shalt  }
0x69: {  	_ =	shalt  }
0x6a: {  	_ =	shalt  }
0x6b: {  	_ =	shalt  }
0x6c: {  	_ =	shalt  }
0x6d: {  	_ =	shalt  }
0x6e: {  	_ =	shalt  }
0x6f: {  	_ =	shalt  }
0x70: {  	_ =	shalt  }
0x71: {  	_ =	shalt  }
0x72: {  	_ =	shalt  }
0x73: {  	_ =	shalt  }
0x74: {  	_ =	shalt  }
0x75: {  	_ =	shalt  }
0x76: {  	_ =	shalt  }
0x77: {  	_ =	shalt  }
0x78: {  	_ =	shalt  }
0x79: {  	_ =	shalt  }
0x7a: {  	_ =	shalt  }
0x7b: {  	_ =	shalt  }
0x7c: {  	_ =	shalt  }
0x7d: {  	_ =	shalt  }
0x7e: {  	_ =	shalt  }
0x7f: {  	_ =	shalt  }
0x80: {  	_ =	shalt  }
0x81: {  	_ =	shalt  }
0x82: {  	_ =	shalt  }
0x83: {  	_ =	shalt  }
0x84: {  	_ =	shalt  }
0x85: {  	_ =	shalt  }
0x86: {  	_ =	shalt  }
0x87: {  	_ =	shalt  }
.Lfunc_end0:
.L_simem_size_0:
called_computation_lowered:
.L_overlay_start_0:
0x88: {  	s2 =	sld [smem:$0x3FD9]  }
0x89: {  	s3 =	sld [smem:$0x3FFE];
	_ =	sdelay $0x1  }
0x8a: {  	s1 =	srdreg.scid  }
0x8b: {  	s0 =	sand.u32 $0x1, s1  }
0x8c: {  	s17 =	sshll.u32 s0, $0xA;
	s2 =	sadd.s32 s3, s2  }
0x8d: {  	s2 =	sadd.s32 s2, s17  }
0x8e: {  	[smem:$0x3FC3] =	sst s2  }
0x8f: {  	_ = 	snop  }
0x90: {  	s2 =	sld [smem:$0x3FC8]  }
0x91: {  	s18 =	sld [smem:$0x3FD0];
	(tm) =	ssettm $0x1  }
0x92: {  	s4 =	sld [smem:$0x3FFB];
	_ =	sdelay $0x3  }
0x93: {  	_ =	strace s4  }
0x94: {  	s4 =	sld [smem:$0x3FFC];
	_ =	sdelay $0x3  }
0x95: {  	_ =	strace s4  }
0x96: {  	s4 =	sld [smem:$0x3FFD];
	_ =	sdelay $0x3  }
0x97: {  	_ =	strace s4  }
0x98: {  	_ =	strace $0x8FFFFFFF  }
0x99: {  	s19 =	sld [smem:$0x3FDB];
	_ =	sdelay $0x1  }
0x9a: {  	s5 =	simm.s32 $_scs_section_size  }
0x9b: {  	s6 =	simm.s32 $_size__tile_overlayer_lowered;
	s7 =	simm.s32 $_tile_overlayer_lowered  }
0x9c: {  	s22 =	simm.s32 $0x1BFF;
	s21 =	sshll.u32 s7, $0x1;
	s4 =	sadd.s32 s5, s19  }
0x9d: {  	s8 =	simm.s32 $0x0;
	s20 =	sshll.u32 s6, $0x1;
	s6 =	sadd.s32 s21, s4  }
0x9e: {  	[timem:s8], [sflag:s22] =	dma.local [hbm:s6], s20  }
0x9f: {  	_ =	swait.ge [sflag:s22], s20  }
0xa0: {  	s5 =	ssub.s32 $0x0, s20;
	[sflag:s22] =	ssyncset.done $0x0  }
0xa1: {  	[sflag:s22] =	ssyncadd.s32 s5;
	_ =	sdelay $0x1  }
0xa2: {  	s23 =	simm.s32 $0x1B8B  }
0xa3: {  	_ =	swait.ge [sflag:s23], $0x1  }
0xa4: {  	[sflag:s23] =	ssyncset.done $0x0  }
0xa5: {  	s25 =	simm.s32 $0x1B8E;
	s24 =	sld [smem:$0x3FFE];
	[sflag:s23] =	ssyncadd.s32 $0xFFFFFFFF  }
0xa6: {  	s26 =	simm.s32 $execute0_lowered;
	[smem:$0x3FD2] =	sst s25  }
0xa7: {  	s6 =	sshll.u32 s26, $0x1;
	_ =	strace $0x80000046;
	[dreg:$0x1] =	wrdreg $0xFFFFFFFF  }
0xa8: {  	s28 =	simm.s32 $_size_execute0_lowered;
	s4 =	sadd.s32 s4, s6;
	[dreg:$0x0] =	wrdreg $0x0  }
0xa9: {  	s6 =	sshll.u32 s28, $0x1;
	[dreg:$0x2] =	wrdreg s4  }
0xaa: {  	[dreg:$0x3] =	wrdreg s6  }
0xab: {  	[dreg:$0x4] =	wrdreg $0xC0  }
0xac: {  	_ =	task [dreg:s8], $0x5FFFF  }
0xad: {  	[dreg:$0x1] =	wrdreg $0xFFFFFFFF  }
0xae: {  	[dreg:$0x0] =	wrdreg $0x60  }
0xaf: {  	[dreg:$0x2] =	wrdreg s2  }
0xb0: {  	[dreg:$0x3] =	wrdreg s24  }
0xb1: {  	[dreg:$0x4] =	wrdreg s18  }
0xb2: {  	[dreg:$0x5] =	wrdreg $0x9  }
0xb3: {  	_ =	task.clear_ibuf [dreg:s8], $0x6FFFF;
	_ =	strace $0x90000046  }
0xb4: {  	s29 =	simm.s32 $0x9;
	_ =	strace $0x80000048  }
0xb5: {  	_ =	swait.ge [sflag:s29], $0x1  }
0xb6: {  	[sflag:s29] =	ssyncadd.s32 $0xFFFFFFFF  }
0xb7: {  	_ =	strace $0x90000048  }
0xb8: {  	_ =	sfence  }
0xb9: {  	s30 =	sld [smem:$0x0];
	_ =	sdelay $0x2  }
0xba: {  	s31 =	sshll.u32 s1, $0xD;
	s1 =	sshrl.u32 s1, $0x2  }
0xbb: {  	s3 =	sand.u32 $0x4000, s31;
	s1 =	sadd.s32 s1, s30  }
0xbc: {  	s0 =	sor.u32 s3, s0;
	s1 =	sshll.u32 s1, $0x11  }
0xbd: {  	s0 =	sor.u32 s1, s0  }
0xbe: {  	s0 =	sadd.s32 $0x8F2B, s0  }
0xbf: {  	[sflag:s0] =	ssyncadd.remote.s32 $0x1  }
0xc0: {  	_ =	sfence.sel $0xFFFF  }
0xc1: {  	[dreg:$0x0] =	wrdreg $0xFFFFFFFF;
	(pc) =	sbr.abs _section_cstart, $3  }
0xc2: {  	[dreg:$0x1] =	wrdreg $0xFFFFFFFF  }
0xc3: {  	_ =	task.clear_ibuf [dreg:s8], $0x2FFFF;
	_ =	strace $0x9FFFFFFF  }
0xc4: {  	(tm) =	ssettm $0x7FFFFFFF  }
0xc5: {  	_ =	shalt  }
tec
execute0_lowered:
.L_overlay_start_1:
0x0: {  	(tag) =	ssettag $0x1  }
0x1: {  	s2 =	srdreg.scid  }
0x2: {  	s1 =	rddreg [dreg:$0x0];
	s0 =	stileid.u32;
	s6 =	sand.u32 $0x1, s2  }
0x3: {  	s4 =	rddreg [dreg:$0x1];
	s31 =	sshll.u32 s0, $0x7;
	s3 =	sshll.u32 s6, $0x6  }
0x4: {  	s9 =	rddreg [dreg:$0x2];
	s10 =	sor.u32 s3, s31  }
0x5: {  	s2 =	rddreg [dreg:$0x3];
	s3 =	simm.s32 $0x0;
	s5 =	sshrl.u32 s10, $0x3  }
0x6: {  	s11 =	ssub.s32 $0x2, s6;
	[smem:$0x7FF] =	sst s3;
	s4 =	sadd.s32 s5, s4  }
0x7: {  	_ =	strace $0x80000047;
	s5 =	simm.s32 $0x3;
	s4 =	sadd.s32 $0x1C00, s4  }
0x8: {  	[tilespmem:s3], [sflag:$0x3] =	stream.linear.gather [hbm4b:s4+s3], $0x40, $0x38;
	[tilespmem:$0x2080] =	vst v63  }
0x9: {  	s7 =	simm.s32 $0x80;
	s12 =	sshrl.u32 s11, $0x1;
	_ =	swait.ge [sflag:s5], $0x40  }
0xa: {  	s8 =	simm.s32 $0x1;
	s11 =	ssub.s32 s11, s12;
	[sflag:s5] =	ssyncset.done $0x0  }
0xb: {  	s6 =	simm.s32 $0x40;
	s11 =	smax.u32 s11, $0x1;
	[sflag:s5] =	ssyncadd.s32 $0xFFFFFFC0  }
0xc: {  	[tilespmem:s7], [sflag:$0x1] =	stream.indirect.gather [hbm4b:s1+s6], $0x80, s3, s6, $0xb8;
	[tilespmem:$0x2080] =	vst v63  }
0xd: {  	p0 =	sne.s32 s11, $0x1;
	_ =	swait.ge [sflag:s8], $0x2000  }
.Ltmp0:
0xe: {  	s10 =	sshll.u32 s10, $0x4;
	[sflag:s8] =	ssyncset.done $0x0;
	(pc) =	sbr.rel @!p0 .LBB2_2-.Ltmp0, $4  }
0xf: {  	s9 =	sadd.s32 s9, s10;
	s10 =	simm.s32 $0x2;
	[sflag:s8] =	ssyncadd.s32 $0xFFFFE000  }
0x10: {  	[hbm4b:s9+s3] =	stream.linear.scatter [tilespmem:s7], [sflag:$0x2], $0x2000, $0x38;
	[tilespmem:$0x2080] =	vst v63  }
0x11: {  	_ =	swait.ge [sflag:s10], $0x2000  }
0x12: {  	s11 =	sadd.s32 $0xFFFFFFFF, s11;
	[sflag:s10] =	ssyncset.done $0x0  }
.LBB2_1:
0x13: {  	p0 =	sne.s32 s11, $0x1;
	s11 =	sadd.s32 $0xFFFFFFFF, s11;
	[sflag:s10] =	ssyncadd.s32 $0xFFFFE000  }
0x14: {  	[tilespmem:s3], [sflag:$0x3] =	stream.linear.gather [hbm4b:s4+s3], $0x40, $0x38;
	[tilespmem:$0x2080] =	vst v63  }
0x15: {  	_ =	swait.ge [sflag:s5], $0x40  }
0x16: {  	[sflag:s5] =	ssyncset.done $0x0  }
0x17: {  	[sflag:s5] =	ssyncadd.s32 $0xFFFFFFC0  }
0x18: {  	[tilespmem:s7], [sflag:$0x1] =	stream.indirect.gather [hbm4b:s1+s6], $0x80, s3, s6, $0xb8;
	[tilespmem:$0x2080] =	vst v63  }
0x19: {  	_ =	swait.ge [sflag:s8], $0x2000  }
.Ltmp1:
0x1a: {  	[sflag:s8] =	ssyncset.done $0x0;
	(pc) =	sbr.rel @p0 .LBB2_1-.Ltmp1, $4  }
0x1b: {  	[sflag:s8] =	ssyncadd.s32 $0xFFFFE000  }
0x1c: {  	[hbm4b:s9+s3] =	stream.linear.scatter [tilespmem:s7], [sflag:$0x2], $0x2000, $0x38;
	[tilespmem:$0x2080] =	vst v63  }
0x1d: {  	_ =	swait.ge [sflag:s10], $0x2000  }
0x1e: {  	[sflag:s10] =	ssyncset.done $0x0  }
.LBB2_2:
0x1f: {  	[sflag:s10] =	ssyncadd.s32 $0xFFFFE000  }
0x20: {  	_ =	sfence.sel $0x180000  }
0x21: {  	[bflag:$0x0] =	sbarrier.arrive $0xFFFF  }
0x22: {  	p0 =	sne.s32 s0, $0x0;
	_ =	strace $0x90000047  }
0x23: {  	s0 =	sadd.s32 @!p0 $0x100000, s2;
	[bflag:$0x2] =	sbarrier.arrive $0xFFFF  }
0x24: {  	[sflag:s0] =	ssyncadd.tile.s32 @!p0 $0x1;
	_ =	shalt  }
.Lfunc_end2:
_tile_overlayer_lowered:
.L_overlay_start_2:
0x25: {  	(tag) =	ssettag $0x2  }
0x26: {  	s0 =	rddreg [dreg:$0x0];
	s2 =	stileid.u32  }
0x27: {  	s1 =	rddreg [dreg:$0x1];
	p0 =	sne.s32 s2, $0x0  }
0x28: {  	s3 =	rddreg [dreg:$0x2];
	[bflag:$0x3] =	sbarrier.arrive $0xFFFF;
	s2 =	simm.s32 @!p0 $0x1C03  }
0x29: {  	[timem:s3], [sflag:s2] =	dma.local @!p0 [hbm:s0], s1  }
0x2a: {  	s0 =	simm.s32 @!p0 $0x3  }
0x2b: {  	_ =	swait.ge @!p0 [sflag:s0], s1  }
0x2c: {  	s1 =	ssub.s32 @!p0 $0x0, s1;
	[sflag:s0] =	ssyncset.done @!p0 $0x0  }
0x2d: {  	[sflag:s0] =	ssyncadd.s32 @!p0 s1  }
0x2e: {  	[bflag:$0x3] =	sbarrier.arrive $0xFFFF  }
0x2f: {  	_ =	shalt  }

// kernel: kernel.13.cloned.1.call-start
scs
__scs_entry_jumppad:
0x0: {  	(pc) =	sbr.rel $0x88, $3  }
0x1: {  	(tag) =	ssettag $0x0;
	lr =	simm.s32 $0x1  }
0x2: {  	[smem:$0x3F9C] =	sst lr;
	_ =	strace $0xD0000000  }
0x3: {  	_ = 	snop  }
0x4: {  	_ = 	snop  }
0x5: {  	_ = 	snop  }
0x6: {  	_ = 	snop  }
0x7: {  	_ = 	snop  }
__scs_overlays_trampoline_lowered:
0x8: {  	[smem:$0x3FAB] =	sst s0  }
0x9: {  	[smem:$0x3FAC] =	sst s1  }
0xa: {  	[smem:$0x3FAD] =	sst s2  }
0xb: {  	[smem:$0x3FAE] =	sst s3  }
0xc: {  	[smem:$0x3FAF] =	sst s4  }
0xd: {  	[smem:$0x3FB0] =	sst s5  }
0xe: {  	[smem:$0x3FB1] =	sst s6  }
0xf: {  	[smem:$0x3FB2] =	sst s7  }
0x10: {  	[smem:$0x3FB3] =	sst s8  }
0x11: {  	[smem:$0x3FB4] =	sst s9;
	s0 =	simm.s32 @!p0 $0x0  }
0x12: {  	s1 =	sld [smem:$0x3F9A];
	s0 =	simm.s32 @p0 $0x1  }
0x13: {  	[smem:$0x3FB5] =	sst s0;
	s0 =	simm.s32 @!p1 $0x0  }
0x14: {  	s2 =	sld [smem:$0x3F99];
	s0 =	simm.s32 @p1 $0x1  }
0x15: {  	[smem:$0x3FB6] =	sst s0;
	s0 =	simm.s32 @!p2 $0x0  }
0x16: {  	s3 =	sld [smem:$0x3FDB];
	s0 =	simm.s32 @p2 $0x1  }
0x17: {  	s4 =	simm.s32 $0x1BF5;
	[smem:$0x3FB8] =	sst s0  }
0x18: {  	s0 =	sld [smem:$0x3F9B];
	_ =	swait.ge [sflag:s4], $0x0  }
0x19: {  	s7 =	sld [smem:$0x3F9C]  }
0x1a: {  	s8 =	sadd.s32 $0xFFFFE003, lr  }
0x1b: {  	s9 =	sadd.s32 $0xFFFFFEF7, lr;
	s5 =	simm.s32 $0xFFFFFFFF;
	p2 =	slt.u32 s8, $0xFFFFF086  }
0x1c: {  	p1 =	slt.u32 s9, $0xF7A;
	s5 =	simm.s32 @!p2 $0x0  }
0x1d: {  	s5 =	simm.s32 @p1 $0x1;
	p0 =	seq.s32 s7, s2  }
0x1e: {  	s7 =	smul.u32 @!p0 $0xF7A, s2;
	p2 =	seq.s32 @!p0 s5, $0x0  }
0x1f: {  	s9 =	smul.u32 $0xF7A, s1;
	s8 =	simm.s32 @!p0 $0x1BF5;
	p2 =	por !p2, p0  }
0x20: {  	[sflag:s8] =	ssyncset.s32 @!p0 $0xFFFFF086;
	s6 =	sadd.s32 @!p0 s3, s7;
	s7 =	simm.s32 @!p0 $0x108  }
0x21: {  	s3 =	sadd.s32 s3, s9;
	s6 =	sadd.s32 @!p0 $0x88, s6;
	s7 =	simm.s32 @p2 $0x1082  }
0x22: {  	[simem:s7], [sflag:s8] =	dma.local @!p0 [hbm:s6], $0xF7A  }
0x23: {  	s9 =	sor.u32 $0xD0000000, s2;
	s6 =	simm.s32 $0x108;
	_ =	swait.ge @!p0 [sflag:s8], $0x0  }
0x24: {  	s3 =	sadd.s32 $0x88, s3;
	s6 =	simm.s32 @!p1 $0x1082;
	[sflag:s4] =	ssyncset.s32 $0xFFFFF086  }
0x25: {  	[simem:s6], [sflag:s4] =	dma.local [hbm:s3], $0xF7A  }
0x26: {  	[smem:$0x3F9C] =	sst s1;
	(tag) =	ssettag s2;
	_ =	strace s9  }
0x27: {  	s1 =	sld [smem:$0x3FAC]  }
0x28: {  	s2 =	sld [smem:$0x3FAD]  }
0x29: {  	s4 =	sld [smem:$0x3FAF]  }
0x2a: {  	p0 =	seq.s32 s5, $0x0;
	s5 =	sld [smem:$0x3FB0]  }
0x2b: {  	s6 =	sld [smem:$0x3FB1]  }
0x2c: {  	s7 =	sld [smem:$0x3FB2]  }
0x2d: {  	s3 =	simm.s32 $0x108;
	s8 =	sld [smem:$0x3FB3]  }
0x2e: {  	s3 =	simm.s32 @!p0 $0x1082;
	s9 =	sld [smem:$0x3FB4]  }
0x2f: {  	lr =	sadd.s32 s0, s3;
	s0 =	sld [smem:$0x3FAB]  }
0x30: {  	s3 =	sld [smem:$0x3FAE]  }
0x31: {  	[smem:$0x3FB7] =	sst s10  }
0x32: {  	s10 =	sld [smem:$0x3FB5];
	_ =	sdelay $0x3  }
0x33: {  	p0 =	seq.s32 s10, $0x1;
	s10 =	sld [smem:$0x3FB7];
	_ =	sdelay $0x3  }
0x34: {  	[smem:$0x3FB7] =	sst s10  }
0x35: {  	s10 =	sld [smem:$0x3FB6];
	_ =	sdelay $0x3  }
0x36: {  	p1 =	seq.s32 s10, $0x1;
	s10 =	sld [smem:$0x3FB7];
	_ =	sdelay $0x3  }
0x37: {  	[smem:$0x3FB7] =	sst s10  }
0x38: {  	s10 =	sld [smem:$0x3FB8]  }
0x39: {  	_ = 	snop;
	(pc) =	sbr.ind lr, $3  }
0x3a: {  	_ = 	snop  }
0x3b: {  	_ = 	snop  }
0x3c: {  	p2 =	seq.s32 s10, $0x1;
	s10 =	sld [smem:$0x3FB7]  }
0x3d: {  	_ =	shalt  }
0x3e: {  	_ =	shalt  }
0x3f: {  	_ =	shalt  }
0x40: {  	_ =	shalt  }
0x41: {  	_ =	shalt  }
0x42: {  	_ =	shalt  }
0x43: {  	_ =	shalt  }
0x44: {  	_ =	shalt  }
0x45: {  	_ =	shalt  }
0x46: {  	_ =	shalt  }
0x47: {  	_ =	shalt  }
0x48: {  	_ =	shalt  }
0x49: {  	_ =	shalt  }
0x4a: {  	_ =	shalt  }
0x4b: {  	_ =	shalt  }
0x4c: {  	_ =	shalt  }
0x4d: {  	_ =	shalt  }
0x4e: {  	_ =	shalt  }
0x4f: {  	_ =	shalt  }
0x50: {  	_ =	shalt  }
0x51: {  	_ =	shalt  }
0x52: {  	_ =	shalt  }
0x53: {  	_ =	shalt  }
0x54: {  	_ =	shalt  }
0x55: {  	_ =	shalt  }
0x56: {  	_ =	shalt  }
0x57: {  	_ =	shalt  }
0x58: {  	_ =	shalt  }
0x59: {  	_ =	shalt  }
0x5a: {  	_ =	shalt  }
0x5b: {  	_ =	shalt  }
0x5c: {  	_ =	shalt  }
0x5d: {  	_ =	shalt  }
0x5e: {  	_ =	shalt  }
0x5f: {  	_ =	shalt  }
0x60: {  	_ =	shalt  }
0x61: {  	_ =	shalt  }
0x62: {  	_ =	shalt  }
0x63: {  	_ =	shalt  }
0x64: {  	_ =	shalt  }
0x65: {  	_ =	shalt  }
0x66: {  	_ =	shalt  }
0x67: {  	_ =	shalt  }
0x68: {  	_ =	shalt  }
0x69: {  	_ =	shalt  }
0x6a: {  	_ =	shalt  }
0x6b: {  	_ =	shalt  }
0x6c: {  	_ =	shalt  }
0x6d: {  	_ =	shalt  }
0x6e: {  	_ =	shalt  }
0x6f: {  	_ =	shalt  }
0x70: {  	_ =	shalt  }
0x71: {  	_ =	shalt  }
0x72: {  	_ =	shalt  }
0x73: {  	_ =	shalt  }
0x74: {  	_ =	shalt  }
0x75: {  	_ =	shalt  }
0x76: {  	_ =	shalt  }
0x77: {  	_ =	shalt  }
0x78: {  	_ =	shalt  }
0x79: {  	_ =	shalt  }
0x7a: {  	_ =	shalt  }
0x7b: {  	_ =	shalt  }
0x7c: {  	_ =	shalt  }
0x7d: {  	_ =	shalt  }
0x7e: {  	_ =	shalt  }
0x7f: {  	_ =	shalt  }
0x80: {  	_ =	shalt  }
0x81: {  	_ =	shalt  }
0x82: {  	_ =	shalt  }
0x83: {  	_ =	shalt  }
0x84: {  	_ =	shalt  }
0x85: {  	_ =	shalt  }
0x86: {  	_ =	shalt  }
0x87: {  	_ =	shalt  }
.Lfunc_end0:
.L_simem_size_0:
called_computation.1_lowered:
.L_overlay_start_0:
0x88: {  	s2 =	sld [smem:$0x3FD9]  }
0x89: {  	s3 =	sld [smem:$0x3FFE];
	_ =	sdelay $0x1  }
0x8a: {  	s1 =	srdreg.scid  }
0x8b: {  	s0 =	sand.u32 $0x1, s1  }
0x8c: {  	s17 =	sshll.u32 s0, $0xA;
	s2 =	sadd.s32 s3, s2  }
0x8d: {  	s2 =	sadd.s32 s2, s17  }
0x8e: {  	[smem:$0x3FC3] =	sst s2  }
0x8f: {  	_ = 	snop  }
0x90: {  	s18 =	sld [smem:$0x3FC8];
	(tm) =	ssettm $0x1  }
0x91: {  	s19 =	sld [smem:$0x3FFB];
	_ =	sdelay $0x3  }
0x92: {  	_ =	strace s19  }
0x93: {  	s2 =	sld [smem:$0x3FFC];
	_ =	sdelay $0x3  }
0x94: {  	_ =	strace s2  }
0x95: {  	s2 =	sld [smem:$0x3FFD];
	_ =	sdelay $0x3  }
0x96: {  	_ =	strace s2  }
0x97: {  	_ =	strace $0x8FFFFFFF  }
0x98: {  	s20 =	sld [smem:$0x3FDB];
	_ =	sdelay $0x1  }
0x99: {  	s4 =	simm.s32 $_scs_section_size  }
0x9a: {  	s5 =	simm.s32 $_size__tile_overlayer_lowered;
	s6 =	simm.s32 $_tile_overlayer_lowered  }
0x9b: {  	s7 =	simm.s32 $0x1BFF;
	s21 =	sshll.u32 s6, $0x1;
	s4 =	sadd.s32 s4, s20  }
0x9c: {  	s22 =	simm.s32 $0x0;
	s5 =	sshll.u32 s5, $0x1;
	s6 =	sadd.s32 s21, s4  }
0x9d: {  	[timem:s22], [sflag:s7] =	dma.local [hbm:s6], s5  }
0x9e: {  	_ =	swait.ge [sflag:s7], s5  }
0x9f: {  	s5 =	ssub.s32 $0x0, s5;
	[sflag:s7] =	ssyncset.done $0x0  }
0xa0: {  	[sflag:s7] =	ssyncadd.s32 s5;
	_ =	sdelay $0x1  }
0xa1: {  	s23 =	simm.s32 $0x1B8B  }
0xa2: {  	_ =	swait.ge [sflag:s23], $0x1  }
0xa3: {  	[sflag:s23] =	ssyncset.done $0x0  }
0xa4: {  	[sflag:s23] =	ssyncadd.s32 $0xFFFFFFFF  }
0xa5: {  	s5 =	sld [smem:$0x0]  }
0xa6: {  	s6 =	sand.u32 $0xFFFFFFFE, s1  }
0xa7: {  	p0 =	sne.s32 s1, s6  }
0xa8: {  	s6 =	sshll.u32 @p0 s6, $0xE  }
0xa9: {  	s6 =	sadd.s32 @p0 $0x11B8D, s6;
	s7 =	sshll.u32 @p0 s5, $0x11  }
0xaa: {  	s6 =	sor.u32 @p0 s7, s6  }
0xab: {  	[sflag:s6] =	ssyncadd.remote.s32 @p0 $0x1;
	_ =	sdelay $0x1  }
0xac: {  	s6 =	simm.s32 @p0 $0x1B8D  }
0xad: {  	_ =	swait.eq @p0 [sflag:s6], $0x1  }
0xae: {  	[sflag:s6] =	ssyncadd.s32 @p0 $0xFFFFFFFF  }
0xaf: {  	s7 =	sshll.u32 @!p0 s1, $0xE  }
0xb0: {  	s7 =	sor.u32 @!p0 $0x4000, s7;
	s6 =	simm.s32 @!p0 $0x1B8D  }
0xb1: {  	s5 =	sshll.u32 @!p0 s5, $0x11;
	s7 =	sadd.s32 @!p0 $0x11B8D, s7;
	_ =	swait.eq @!p0 [sflag:s6], $0x1  }
0xb2: {  	s5 =	sor.u32 @!p0 s5, s7;
	[sflag:s6] =	ssyncadd.s32 @!p0 $0xFFFFFFFF  }
0xb3: {  	s25 =	simm.s32 $0x1B8E;
	s24 =	sld [smem:$0x3FFE];
	[sflag:s5] =	ssyncadd.remote.s32 @!p0 $0x1  }
0xb4: {  	s26 =	simm.s32 $execute0_lowered;
	[smem:$0x3FD2] =	sst s25  }
0xb5: {  	s6 =	sshll.u32 s26, $0x1;
	_ =	strace $0x80000049;
	[dreg:$0x1] =	wrdreg $0xFFFFFFFF  }
0xb6: {  	s28 =	simm.s32 $_size_execute0_lowered;
	s4 =	sadd.s32 s4, s6;
	[dreg:$0x0] =	wrdreg $0x0  }
0xb7: {  	s6 =	sshll.u32 s28, $0x1;
	[dreg:$0x2] =	wrdreg s4  }
0xb8: {  	[dreg:$0x3] =	wrdreg s6  }
0xb9: {  	[dreg:$0x4] =	wrdreg $0xC0  }
0xba: {  	_ =	task [dreg:s22], $0x5FFFF  }
0xbb: {  	[dreg:$0x1] =	wrdreg $0xFFFFFFFF  }
0xbc: {  	[dreg:$0x0] =	wrdreg $0x60  }
0xbd: {  	[dreg:$0x2] =	wrdreg s18  }
0xbe: {  	[dreg:$0x3] =	wrdreg s24  }
0xbf: {  	[dreg:$0x4] =	wrdreg $0xA  }
0xc0: {  	_ =	task.clear_ibuf [dreg:s22], $0x5FFFF;
	_ =	strace $0x90000049  }
0xc1: {  	s29 =	simm.s32 $0xA;
	_ =	strace $0x8000004B  }
0xc2: {  	_ =	swait.ge [sflag:s29], $0x1  }
0xc3: {  	[sflag:s29] =	ssyncadd.s32 $0xFFFFFFFF  }
0xc4: {  	_ =	strace $0x9000004B  }
0xc5: {  	_ =	sfence  }
0xc6: {  	s30 =	sld [smem:$0x0];
	_ =	sdelay $0x2  }
0xc7: {  	s31 =	sshll.u32 s1, $0xD;
	s1 =	sshrl.u32 s1, $0x2  }
0xc8: {  	s4 =	sand.u32 $0x4000, s31;
	s1 =	sadd.s32 s1, s30  }
0xc9: {  	s0 =	sor.u32 s4, s0;
	s1 =	sshll.u32 s1, $0x11  }
0xca: {  	s0 =	sor.u32 s1, s0  }
0xcb: {  	s0 =	sadd.s32 $0x8F2B, s0  }
0xcc: {  	[sflag:s0] =	ssyncadd.remote.s32 $0x1  }
0xcd: {  	_ =	sfence.sel $0xFFFF  }
0xce: {  	[dreg:$0x0] =	wrdreg $0xFFFFFFFF;
	(pc) =	sbr.abs _section_cstart, $3  }
0xcf: {  	[dreg:$0x1] =	wrdreg $0xFFFFFFFF  }
0xd0: {  	_ =	task.clear_ibuf [dreg:s22], $0x2FFFF;
	_ =	strace $0x9FFFFFFF  }
0xd1: {  	(tm) =	ssettm $0x7FFFFFFF  }
tec
execute0_lowered:
.L_overlay_start_1:
0x0: {  	(tag) =	ssettag $0x1  }
0x1: {  	s1 =	srdreg.scid  }
0x2: {  	s0 =	stileid.u32;
	s12 =	sand.u32 $0x1, s1  }
0x3: {  	s31 =	sshll.u32 s0, $0x9;
	s3 =	sshll.u32 s12, $0x8  }
0x4: {  	s2 =	rddreg [dreg:$0x0];
	s11 =	sor.u32 s3, s31  }
0x5: {  	s10 =	rddreg [dreg:$0x1];
	s3 =	simm.s32 $0x0;
	s4 =	sshrl.u32 s11, $0x3  }
0x6: {  	s5 =	simm.s32 $0x4;
	[smem:$0x7FF] =	sst s3;
	s4 =	sadd.s32 s10, s4  }
0x7: {  	s1 =	rddreg [dreg:$0x2];
	_ =	strace $0x8000004A;
	s4 =	sadd.s32 $0x1D00, s4  }
0x8: {  	[tilespmem:s3], [sflag:$0x4] =	stream.linear.gather [hbm4b:s4+s3], $0x100, $0x38;
	[tilespmem:$0x8100] =	vst v63  }
0x9: {  	_ =	swait.ge [sflag:s5], $0x100  }
0xa: {  	[sflag:s5] =	ssyncset.done $0x0  }
0xb: {  	s6 =	simm.s32 $0x80;
	s7 =	simm.s32 $0x100;
	[sflag:s5] =	ssyncadd.s32 $0xFFFFFF00  }
0xc: {  	[tilespmem:s7], [sflag:$0x1] =	stream.indirect.gather [hbm4b:s2+s6], $0x80, s3, s6, $0xb8;
	[tilespmem:$0x8100] =	vst v63  }
0xd: {  	s8 =	simm.s32 $0x4100;
	s9 =	simm.s32 $0x1  }
0xe: {  	[tilespmem:s8], [sflag:$0x2] =	stream.indirect.gather [hbm4b:s2+s6], $0x80, s6, s6, $0xb8;
	[tilespmem:$0x8100] =	vst v63  }
0xf: {  	s14 =	ssub.s32 $0x2, s12;
	s11 =	sshll.u32 s11, $0x4;
	_ =	swait.ge [sflag:s9], $0x4000  }
0x10: {  	s15 =	sshrl.u32 s14, $0x1;
	s13 =	sadd.s32 s11, s10;
	[sflag:s9] =	ssyncset.done $0x0  }
0x11: {  	s11 =	simm.s32 $0x2;
	s10 =	sadd.s32 $0x3600, s13;
	[sflag:s9] =	ssyncadd.s32 $0xFFFFC000  }
0x12: {  	[hbm4b:s10+s3] =	stream.linear.scatter [tilespmem:s7], [sflag:$0x3], $0x4000, $0x38;
	[tilespmem:$0x8100] =	vst v63  }
0x13: {  	s14 =	ssub.s32 s14, s15;
	_ =	swait.ge [sflag:s11], $0x4000  }
0x14: {  	s12 =	simm.s32 $0x3;
	s14 =	smax.u32 s14, $0x1;
	[sflag:s11] =	ssyncset.done $0x0  }
0x15: {  	s13 =	sadd.s32 $0x3E00, s13;
	p0 =	sne.s32 s14, $0x1;
	[sflag:s11] =	ssyncadd.s32 $0xFFFFC000  }
0x16: {  	[hbm4b:s13+s3] =	stream.linear.scatter [tilespmem:s8], [sflag:$0x3], $0x4000, $0x38;
	[tilespmem:$0x8100] =	vst v63  }
.Ltmp0:
0x17: {  	_ =	swait.ge [sflag:s12], $0x4000;
	(pc) =	sbr.rel @!p0 .LBB2_2-.Ltmp0, $4  }
0x18: {  	[sflag:s12] =	ssyncset.done $0x0  }
0x19: {  	[sflag:s12] =	ssyncadd.s32 $0xFFFFC000  }
0x1a: {  	_ =	swait.ge [sflag:s12], $0x4000  }
0x1b: {  	s14 =	sadd.s32 $0xFFFFFFFF, s14;
	[sflag:s12] =	ssyncset.done $0x0  }
.LBB2_1:
0x1c: {  	p0 =	sne.s32 s14, $0x1;
	s14 =	sadd.s32 $0xFFFFFFFF, s14;
	[sflag:s12] =	ssyncadd.s32 $0xFFFFC000  }
0x1d: {  	[tilespmem:s3], [sflag:$0x4] =	stream.linear.gather [hbm4b:s4+s3], $0x100, $0x38;
	[tilespmem:$0x8100] =	vst v63  }
0x1e: {  	_ =	swait.ge [sflag:s5], $0x100  }
0x1f: {  	[sflag:s5] =	ssyncset.done $0x0  }
0x20: {  	[sflag:s5] =	ssyncadd.s32 $0xFFFFFF00  }
0x21: {  	[tilespmem:s7], [sflag:$0x1] =	stream.indirect.gather [hbm4b:s2+s6], $0x80, s3, s6, $0xb8;
	[tilespmem:$0x8100] =	vst v63  }
0x22: {  	_ = 	snop  }
0x23: {  	[tilespmem:s8], [sflag:$0x2] =	stream.indirect.gather [hbm4b:s2+s6], $0x80, s6, s6, $0xb8;
	[tilespmem:$0x8100] =	vst v63  }
0x24: {  	_ =	swait.ge [sflag:s9], $0x4000  }
0x25: {  	[sflag:s9] =	ssyncset.done $0x0  }
0x26: {  	[sflag:s9] =	ssyncadd.s32 $0xFFFFC000  }
0x27: {  	[hbm4b:s10+s3] =	stream.linear.scatter [tilespmem:s7], [sflag:$0x3], $0x4000, $0x38;
	[tilespmem:$0x8100] =	vst v63  }
0x28: {  	_ =	swait.ge [sflag:s11], $0x4000  }
0x29: {  	[sflag:s11] =	ssyncset.done $0x0  }
0x2a: {  	[sflag:s11] =	ssyncadd.s32 $0xFFFFC000  }
0x2b: {  	[hbm4b:s13+s3] =	stream.linear.scatter [tilespmem:s8], [sflag:$0x3], $0x4000, $0x38;
	[tilespmem:$0x8100] =	vst v63  }
.Ltmp1:
0x2c: {  	_ =	swait.ge [sflag:s12], $0x4000;
	(pc) =	sbr.rel @p0 .LBB2_1-.Ltmp1, $4  }
0x2d: {  	[sflag:s12] =	ssyncset.done $0x0  }
0x2e: {  	[sflag:s12] =	ssyncadd.s32 $0xFFFFC000  }
0x2f: {  	_ =	swait.ge [sflag:s12], $0x4000  }
0x30: {  	[sflag:s12] =	ssyncset.done $0x0  }
.LBB2_2:
0x31: {  	[sflag:s12] =	ssyncadd.s32 $0xFFFFC000  }
0x32: {  	_ =	sfence.sel $0x180000  }
0x33: {  	[bflag:$0x0] =	sbarrier.arrive $0xFFFF  }
0x34: {  	p0 =	sne.s32 s0, $0x0;
	_ =	strace $0x9000004A  }
0x35: {  	s0 =	sadd.s32 @!p0 $0x100000, s1;
	[bflag:$0x2] =	sbarrier.arrive $0xFFFF  }
0x36: {  	[sflag:s0] =	ssyncadd.tile.s32 @!p0 $0x1;
	_ =	shalt  }
.Lfunc_end2:
_tile_overlayer_lowered:
.L_overlay_start_2:
0x37: {  	(tag) =	ssettag $0x2  }
0x38: {  	s0 =	rddreg [dreg:$0x0];
	s2 =	stileid.u32  }
0x39: {  	s1 =	rddreg [dreg:$0x1];
	p0 =	sne.s32 s2, $0x0  }
0x3a: {  	s3 =	rddreg [dreg:$0x2];
	[bflag:$0x3] =	sbarrier.arrive $0xFFFF;
	s2 =	simm.s32 @!p0 $0x1C04  }
0x3b: {  	[timem:s3], [sflag:s2] =	dma.local @!p0 [hbm:s0], s1  }
0x3c: {  	s0 =	simm.s32 @!p0 $0x4  }
0x3d: {  	_ =	swait.ge @!p0 [sflag:s0], s1  }
0x3e: {  	s1 =	ssub.s32 @!p0 $0x0, s1;
	[sflag:s0] =	ssyncset.done @!p0 $0x0  }
0x3f: {  	[sflag:s0] =	ssyncadd.s32 @!p0 s1  }
0x40: {  	[bflag:$0x3] =	sbarrier.arrive $0xFFFF  }
0x41: {  	_ =	shalt  }

// kernel: kernel.16.cloned.1.call-start
scs
__scs_entry_jumppad:
0x0: {  	(pc) =	sbr.rel $0x88, $3  }
0x1: {  	(tag) =	ssettag $0x0;
	lr =	simm.s32 $0x1  }
0x2: {  	[smem:$0x3F9C] =	sst lr;
	_ =	strace $0xD0000000  }
0x3: {  	_ = 	snop  }
0x4: {  	_ = 	snop  }
0x5: {  	_ = 	snop  }
0x6: {  	_ = 	snop  }
0x7: {  	_ = 	snop  }
__scs_overlays_trampoline_lowered:
0x8: {  	[smem:$0x3FAB] =	sst s0  }
0x9: {  	[smem:$0x3FAC] =	sst s1  }
0xa: {  	[smem:$0x3FAD] =	sst s2  }
0xb: {  	[smem:$0x3FAE] =	sst s3  }
0xc: {  	[smem:$0x3FAF] =	sst s4  }
0xd: {  	[smem:$0x3FB0] =	sst s5  }
0xe: {  	[smem:$0x3FB1] =	sst s6  }
0xf: {  	[smem:$0x3FB2] =	sst s7  }
0x10: {  	[smem:$0x3FB3] =	sst s8  }
0x11: {  	[smem:$0x3FB4] =	sst s9;
	s0 =	simm.s32 @!p0 $0x0  }
0x12: {  	s1 =	sld [smem:$0x3F9A];
	s0 =	simm.s32 @p0 $0x1  }
0x13: {  	[smem:$0x3FB5] =	sst s0;
	s0 =	simm.s32 @!p1 $0x0  }
0x14: {  	s2 =	sld [smem:$0x3F99];
	s0 =	simm.s32 @p1 $0x1  }
0x15: {  	[smem:$0x3FB6] =	sst s0;
	s0 =	simm.s32 @!p2 $0x0  }
0x16: {  	s3 =	sld [smem:$0x3FDB];
	s0 =	simm.s32 @p2 $0x1  }
0x17: {  	s4 =	simm.s32 $0x1BF5;
	[smem:$0x3FB8] =	sst s0  }
0x18: {  	s0 =	sld [smem:$0x3F9B];
	_ =	swait.ge [sflag:s4], $0x0  }
0x19: {  	s7 =	sld [smem:$0x3F9C]  }
0x1a: {  	s8 =	sadd.s32 $0xFFFFE003, lr  }
0x1b: {  	s9 =	sadd.s32 $0xFFFFFEF7, lr;
	s5 =	simm.s32 $0xFFFFFFFF;
	p2 =	slt.u32 s8, $0xFFFFF086  }
0x1c: {  	p1 =	slt.u32 s9, $0xF7A;
	s5 =	simm.s32 @!p2 $0x0  }
0x1d: {  	s5 =	simm.s32 @p1 $0x1;
	p0 =	seq.s32 s7, s2  }
0x1e: {  	s7 =	smul.u32 @!p0 $0xF7A, s2;
	p2 =	seq.s32 @!p0 s5, $0x0  }
0x1f: {  	s9 =	smul.u32 $0xF7A, s1;
	s8 =	simm.s32 @!p0 $0x1BF5;
	p2 =	por !p2, p0  }
0x20: {  	[sflag:s8] =	ssyncset.s32 @!p0 $0xFFFFF086;
	s6 =	sadd.s32 @!p0 s3, s7;
	s7 =	simm.s32 @!p0 $0x108  }
0x21: {  	s3 =	sadd.s32 s3, s9;
	s6 =	sadd.s32 @!p0 $0x88, s6;
	s7 =	simm.s32 @p2 $0x1082  }
0x22: {  	[simem:s7], [sflag:s8] =	dma.local @!p0 [hbm:s6], $0xF7A  }
0x23: {  	s9 =	sor.u32 $0xD0000000, s2;
	s6 =	simm.s32 $0x108;
	_ =	swait.ge @!p0 [sflag:s8], $0x0  }
0x24: {  	s3 =	sadd.s32 $0x88, s3;
	s6 =	simm.s32 @!p1 $0x1082;
	[sflag:s4] =	ssyncset.s32 $0xFFFFF086  }
0x25: {  	[simem:s6], [sflag:s4] =	dma.local [hbm:s3], $0xF7A  }
0x26: {  	[smem:$0x3F9C] =	sst s1;
	(tag) =	ssettag s2;
	_ =	strace s9  }
0x27: {  	s1 =	sld [smem:$0x3FAC]  }
0x28: {  	s2 =	sld [smem:$0x3FAD]  }
0x29: {  	s4 =	sld [smem:$0x3FAF]  }
0x2a: {  	p0 =	seq.s32 s5, $0x0;
	s5 =	sld [smem:$0x3FB0]  }
0x2b: {  	s6 =	sld [smem:$0x3FB1]  }
0x2c: {  	s7 =	sld [smem:$0x3FB2]  }
0x2d: {  	s3 =	simm.s32 $0x108;
	s8 =	sld [smem:$0x3FB3]  }
0x2e: {  	s3 =	simm.s32 @!p0 $0x1082;
	s9 =	sld [smem:$0x3FB4]  }
0x2f: {  	lr =	sadd.s32 s0, s3;
	s0 =	sld [smem:$0x3FAB]  }
0x30: {  	s3 =	sld [smem:$0x3FAE]  }
0x31: {  	[smem:$0x3FB7] =	sst s10  }
0x32: {  	s10 =	sld [smem:$0x3FB5];
	_ =	sdelay $0x3  }
0x33: {  	p0 =	seq.s32 s10, $0x1;
	s10 =	sld [smem:$0x3FB7];
	_ =	sdelay $0x3  }
0x34: {  	[smem:$0x3FB7] =	sst s10  }
0x35: {  	s10 =	sld [smem:$0x3FB6];
	_ =	sdelay $0x3  }
0x36: {  	p1 =	seq.s32 s10, $0x1;
	s10 =	sld [smem:$0x3FB7];
	_ =	sdelay $0x3  }
0x37: {  	[smem:$0x3FB7] =	sst s10  }
0x38: {  	s10 =	sld [smem:$0x3FB8]  }
0x39: {  	_ = 	snop;
	(pc) =	sbr.ind lr, $3  }
0x3a: {  	_ = 	snop  }
0x3b: {  	_ = 	snop  }
0x3c: {  	p2 =	seq.s32 s10, $0x1;
	s10 =	sld [smem:$0x3FB7]  }
0x3d: {  	_ =	shalt  }
0x3e: {  	_ =	shalt  }
0x3f: {  	_ =	shalt  }
0x40: {  	_ =	shalt  }
0x41: {  	_ =	shalt  }
0x42: {  	_ =	shalt  }
0x43: {  	_ =	shalt  }
0x44: {  	_ =	shalt  }
0x45: {  	_ =	shalt  }
0x46: {  	_ =	shalt  }
0x47: {  	_ =	shalt  }
0x48: {  	_ =	shalt  }
0x49: {  	_ =	shalt  }
0x4a: {  	_ =	shalt  }
0x4b: {  	_ =	shalt  }
0x4c: {  	_ =	shalt  }
0x4d: {  	_ =	shalt  }
0x4e: {  	_ =	shalt  }
0x4f: {  	_ =	shalt  }
0x50: {  	_ =	shalt  }
0x51: {  	_ =	shalt  }
0x52: {  	_ =	shalt  }
0x53: {  	_ =	shalt  }
0x54: {  	_ =	shalt  }
0x55: {  	_ =	shalt  }
0x56: {  	_ =	shalt  }
0x57: {  	_ =	shalt  }
0x58: {  	_ =	shalt  }
0x59: {  	_ =	shalt  }
0x5a: {  	_ =	shalt  }
0x5b: {  	_ =	shalt  }
0x5c: {  	_ =	shalt  }
0x5d: {  	_ =	shalt  }
0x5e: {  	_ =	shalt  }
0x5f: {  	_ =	shalt  }
0x60: {  	_ =	shalt  }
0x61: {  	_ =	shalt  }
0x62: {  	_ =	shalt  }
0x63: {  	_ =	shalt  }
0x64: {  	_ =	shalt  }
0x65: {  	_ =	shalt  }
0x66: {  	_ =	shalt  }
0x67: {  	_ =	shalt  }
0x68: {  	_ =	shalt  }
0x69: {  	_ =	shalt  }
0x6a: {  	_ =	shalt  }
0x6b: {  	_ =	shalt  }
0x6c: {  	_ =	shalt  }
0x6d: {  	_ =	shalt  }
0x6e: {  	_ =	shalt  }
0x6f: {  	_ =	shalt  }
0x70: {  	_ =	shalt  }
0x71: {  	_ =	shalt  }
0x72: {  	_ =	shalt  }
0x73: {  	_ =	shalt  }
0x74: {  	_ =	shalt  }
0x75: {  	_ =	shalt  }
0x76: {  	_ =	shalt  }
0x77: {  	_ =	shalt  }
0x78: {  	_ =	shalt  }
0x79: {  	_ =	shalt  }
0x7a: {  	_ =	shalt  }
0x7b: {  	_ =	shalt  }
0x7c: {  	_ =	shalt  }
0x7d: {  	_ =	shalt  }
0x7e: {  	_ =	shalt  }
0x7f: {  	_ =	shalt  }
0x80: {  	_ =	shalt  }
0x81: {  	_ =	shalt  }
0x82: {  	_ =	shalt  }
0x83: {  	_ =	shalt  }
0x84: {  	_ =	shalt  }
0x85: {  	_ =	shalt  }
0x86: {  	_ =	shalt  }
0x87: {  	_ =	shalt  }
.Lfunc_end0:
.L_simem_size_0:
called_computation.2_lowered:
.L_overlay_start_0:
0x88: {  	s2 =	sld [smem:$0x3FD9]  }
0x89: {  	s3 =	sld [smem:$0x3FFE];
	_ =	sdelay $0x1  }
0x8a: {  	s1 =	srdreg.scid  }
0x8b: {  	s0 =	sand.u32 $0x1, s1  }
0x8c: {  	s17 =	sshll.u32 s0, $0xA;
	s2 =	sadd.s32 s3, s2  }
0x8d: {  	s2 =	sadd.s32 s2, s17  }
0x8e: {  	[smem:$0x3FC3] =	sst s2  }
0x8f: {  	_ = 	snop  }
0x90: {  	s18 =	sld [smem:$0x3FC8];
	(tm) =	ssettm $0x1  }
0x91: {  	s19 =	sld [smem:$0x3FFB];
	_ =	sdelay $0x3  }
0x92: {  	_ =	strace s19  }
0x93: {  	s2 =	sld [smem:$0x3FFC];
	_ =	sdelay $0x3  }
0x94: {  	_ =	strace s2  }
0x95: {  	s2 =	sld [smem:$0x3FFD];
	_ =	sdelay $0x3  }
0x96: {  	_ =	strace s2  }
0x97: {  	_ =	strace $0x8FFFFFFF  }
0x98: {  	s20 =	sld [smem:$0x3FDB];
	_ =	sdelay $0x1  }
0x99: {  	s4 =	simm.s32 $_scs_section_size  }
0x9a: {  	s5 =	simm.s32 $_size__tile_overlayer_lowered;
	s6 =	simm.s32 $_tile_overlayer_lowered  }
0x9b: {  	s7 =	simm.s32 $0x1BFF;
	s21 =	sshll.u32 s6, $0x1;
	s4 =	sadd.s32 s4, s20  }
0x9c: {  	s22 =	simm.s32 $0x0;
	s5 =	sshll.u32 s5, $0x1;
	s6 =	sadd.s32 s21, s4  }
0x9d: {  	[timem:s22], [sflag:s7] =	dma.local [hbm:s6], s5  }
0x9e: {  	_ =	swait.ge [sflag:s7], s5  }
0x9f: {  	s5 =	ssub.s32 $0x0, s5;
	[sflag:s7] =	ssyncset.done $0x0  }
0xa0: {  	[sflag:s7] =	ssyncadd.s32 s5;
	_ =	sdelay $0x1  }
0xa1: {  	s23 =	simm.s32 $0x1B8B  }
0xa2: {  	_ =	swait.ge [sflag:s23], $0x1  }
0xa3: {  	[sflag:s23] =	ssyncset.done $0x0  }
0xa4: {  	[sflag:s23] =	ssyncadd.s32 $0xFFFFFFFF  }
0xa5: {  	s5 =	sld [smem:$0x0]  }
0xa6: {  	s6 =	sand.u32 $0xFFFFFFFE, s1  }
0xa7: {  	p0 =	sne.s32 s1, s6  }
0xa8: {  	s6 =	sshll.u32 @p0 s6, $0xE  }
0xa9: {  	s6 =	sadd.s32 @p0 $0x11B8D, s6;
	s7 =	sshll.u32 @p0 s5, $0x11  }
0xaa: {  	s6 =	sor.u32 @p0 s7, s6  }
0xab: {  	[sflag:s6] =	ssyncadd.remote.s32 @p0 $0x1;
	_ =	sdelay $0x1  }
0xac: {  	s6 =	simm.s32 @p0 $0x1B8D  }
0xad: {  	_ =	swait.eq @p0 [sflag:s6], $0x1  }
0xae: {  	[sflag:s6] =	ssyncadd.s32 @p0 $0xFFFFFFFF  }
0xaf: {  	s7 =	sshll.u32 @!p0 s1, $0xE  }
0xb0: {  	s7 =	sor.u32 @!p0 $0x4000, s7;
	s6 =	simm.s32 @!p0 $0x1B8D  }
0xb1: {  	s5 =	sshll.u32 @!p0 s5, $0x11;
	s7 =	sadd.s32 @!p0 $0x11B8D, s7;
	_ =	swait.eq @!p0 [sflag:s6], $0x1  }
0xb2: {  	s5 =	sor.u32 @!p0 s5, s7;
	[sflag:s6] =	ssyncadd.s32 @!p0 $0xFFFFFFFF  }
0xb3: {  	s25 =	simm.s32 $0x1B8E;
	s24 =	sld [smem:$0x3FFE];
	[sflag:s5] =	ssyncadd.remote.s32 @!p0 $0x1  }
0xb4: {  	s26 =	simm.s32 $execute0_lowered;
	[smem:$0x3FD2] =	sst s25  }
0xb5: {  	s6 =	sshll.u32 s26, $0x1;
	_ =	strace $0x8000004C;
	[dreg:$0x1] =	wrdreg $0xFFFFFFFF  }
0xb6: {  	s28 =	simm.s32 $_size_execute0_lowered;
	s4 =	sadd.s32 s4, s6;
	[dreg:$0x0] =	wrdreg $0x0  }
0xb7: {  	s6 =	sshll.u32 s28, $0x1;
	[dreg:$0x2] =	wrdreg s4  }
0xb8: {  	[dreg:$0x3] =	wrdreg s6  }
0xb9: {  	[dreg:$0x4] =	wrdreg $0xC0  }
0xba: {  	_ =	task [dreg:s22], $0x5FFFF  }
0xbb: {  	[dreg:$0x1] =	wrdreg $0xFFFFFFFF  }
0xbc: {  	[dreg:$0x0] =	wrdreg $0x60  }
0xbd: {  	[dreg:$0x2] =	wrdreg s18  }
0xbe: {  	[dreg:$0x3] =	wrdreg s24  }
0xbf: {  	[dreg:$0x4] =	wrdreg $0xB  }
0xc0: {  	_ =	task.clear_ibuf [dreg:s22], $0x5FFFF;
	_ =	strace $0x9000004C  }
0xc1: {  	s29 =	simm.s32 $0xB;
	_ =	strace $0x8000004E  }
0xc2: {  	_ =	swait.ge [sflag:s29], $0x1  }
0xc3: {  	[sflag:s29] =	ssyncadd.s32 $0xFFFFFFFF  }
0xc4: {  	_ =	strace $0x9000004E  }
0xc5: {  	_ =	sfence  }
0xc6: {  	s30 =	sld [smem:$0x0];
	_ =	sdelay $0x2  }
0xc7: {  	s31 =	sshll.u32 s1, $0xD;
	s1 =	sshrl.u32 s1, $0x2  }
0xc8: {  	s4 =	sand.u32 $0x4000, s31;
	s1 =	sadd.s32 s1, s30  }
0xc9: {  	s0 =	sor.u32 s4, s0;
	s1 =	sshll.u32 s1, $0x11  }
0xca: {  	s0 =	sor.u32 s1, s0  }
0xcb: {  	s0 =	sadd.s32 $0x8F2B, s0  }
0xcc: {  	[sflag:s0] =	ssyncadd.remote.s32 $0x1  }
0xcd: {  	_ =	sfence.sel $0xFFFF  }
0xce: {  	[dreg:$0x0] =	wrdreg $0xFFFFFFFF;
	(pc) =	sbr.abs _section_cstart, $3  }
0xcf: {  	[dreg:$0x1] =	wrdreg $0xFFFFFFFF  }
0xd0: {  	_ =	task.clear_ibuf [dreg:s22], $0x2FFFF;
	_ =	strace $0x9FFFFFFF  }
0xd1: {  	(tm) =	ssettm $0x7FFFFFFF  }
tec
execute0_lowered:
.L_overlay_start_1:
0x0: {  	(tag) =	ssettag $0x1  }
0x1: {  	s1 =	srdreg.scid;
	s0 =	stileid.u32  }
0x2: {  	s22 =	sand.u32 $0x1, s1;
	s29 =	sshll.u32 s0, $0x1  }
0x3: {  	s23 =	sor.u32 s22, s29  }
0x4: {  	s4 =	smul.u32 $0x1C0, s23  }
0x5: {  	s2 =	rddreg [dreg:$0x0]  }
0x6: {  	s20 =	rddreg [dreg:$0x1];
	s3 =	simm.s32 $0x0;
	s4 =	sshrl.u32 s4, $0x3  }
0x7: {  	s5 =	simm.s32 $0x4;
	[smem:$0x7FF] =	sst s3;
	s4 =	sadd.s32 s20, s4  }
0x8: {  	s1 =	rddreg [dreg:$0x2];
	_ =	strace $0x8000004D;
	s4 =	sadd.s32 $0x2100, s4  }
0x9: {  	[tilespmem:s3], [sflag:$0x4] =	stream.linear.gather [hbm4b:s4+s3], $0x1C0, $0x38;
	[tilespmem:$0xE200] =	vst v63  }
0xa: {  	_ =	swait.ge [sflag:s5], $0x1C0  }
0xb: {  	[sflag:s5] =	ssyncset.done $0x0  }
0xc: {  	s6 =	simm.s32 $0x40;
	s7 =	simm.s32 $0x200;
	[sflag:s5] =	ssyncadd.s32 $0xFFFFFE40  }
0xd: {  	[tilespmem:s7], [sflag:$0x1] =	stream.indirect.gather [hbm4b:s2+s6], $0x80, s3, s6, $0xb8;
	[tilespmem:$0xE200] =	vst v63  }
0xe: {  	s8 =	simm.s32 $0x2200  }
0xf: {  	[tilespmem:s8], [sflag:$0x1] =	stream.indirect.gather [hbm4b:s2+s6], $0x80, s6, s6, $0xb8;
	[tilespmem:$0xE200] =	vst v63  }
0x10: {  	s9 =	simm.s32 $0x80;
	s10 =	simm.s32 $0x4200  }
0x11: {  	[tilespmem:s10], [sflag:$0x1] =	stream.indirect.gather [hbm4b:s2+s6], $0x80, s9, s6, $0xb8;
	[tilespmem:$0xE200] =	vst v63  }
0x12: {  	s11 =	simm.s32 $0xC0;
	s12 =	simm.s32 $0x6200  }
0x13: {  	[tilespmem:s12], [sflag:$0x2] =	stream.indirect.gather [hbm4b:s2+s6], $0x80, s11, s6, $0xb8;
	[tilespmem:$0xE200] =	vst v63  }
0x14: {  	s13 =	simm.s32 $0x100;
	s14 =	simm.s32 $0x8200  }
0x15: {  	[tilespmem:s14], [sflag:$0x2] =	stream.indirect.gather [hbm4b:s2+s6], $0x80, s13, s6, $0xb8;
	[tilespmem:$0xE200] =	vst v63  }
0x16: {  	s15 =	simm.s32 $0x140;
	s16 =	simm.s32 $0xA200  }
0x17: {  	[tilespmem:s16], [sflag:$0x2] =	stream.indirect.gather [hbm4b:s2+s6], $0x80, s15, s6, $0xb8;
	[tilespmem:$0xE200] =	vst v63  }
0x18: {  	s17 =	simm.s32 $0x180;
	s18 =	simm.s32 $0xC200;
	s19 =	simm.s32 $0x1  }
0x19: {  	[tilespmem:s18], [sflag:$0x2] =	stream.indirect.gather [hbm4b:s2+s6], $0x80, s17, s6, $0xb8;
	[tilespmem:$0xE200] =	vst v63  }
0x1a: {  	_ =	swait.ge [sflag:s19], $0x2000  }
0x1b: {  	[sflag:s19] =	ssyncset.done $0x0  }
0x1c: {  	[sflag:s19] =	ssyncadd.s32 $0xFFFFE000  }
0x1d: {  	_ =	swait.ge [sflag:s19], $0x2000  }
0x1e: {  	[sflag:s19] =	ssyncset.done $0x0  }
0x1f: {  	[sflag:s19] =	ssyncadd.s32 $0xFFFFE000  }
0x20: {  	s21 =	smul.u32 $0x1C00, s23;
	_ =	swait.ge [sflag:s19], $0x2000  }
0x21: {  	s24 =	sadd.s32 $0x23600, s20;
	[sflag:s19] =	ssyncset.done $0x0  }
0x22: {  	s20 =	sadd.s32 s24, s21;
	s21 =	simm.s32 $0x2;
	[sflag:s19] =	ssyncadd.s32 $0xFFFFE000  }
0x23: {  	[hbm4b:s20+s3] =	stream.linear.scatter [tilespmem:s7], [sflag:$0x3], $0x6000, $0x38;
	[tilespmem:$0xE200] =	vst v63  }
0x24: {  	_ =	swait.ge [sflag:s21], $0x2000  }
0x25: {  	[sflag:s21] =	ssyncset.done $0x0  }
0x26: {  	[sflag:s21] =	ssyncadd.s32 $0xFFFFE000  }
0x27: {  	_ =	swait.ge [sflag:s21], $0x2000  }
0x28: {  	[sflag:s21] =	ssyncset.done $0x0  }
0x29: {  	[sflag:s21] =	ssyncadd.s32 $0xFFFFE000  }
0x2a: {  	s23 =	smul.u32 $0xE000, s23;
	_ =	swait.ge [sflag:s21], $0x2000  }
0x2b: {  	s25 =	ssub.s32 $0x2, s22;
	[sflag:s21] =	ssyncset.done $0x0  }
0x2c: {  	s31 =	sshrl.u32 s25, $0x1;
	s23 =	sshrl.u32 s23, $0x3;
	[sflag:s21] =	ssyncadd.s32 $0xFFFFE000  }
0x2d: {  	s30 =	sadd.s32 s24, s23;
	s24 =	ssub.s32 s25, s31;
	_ =	swait.ge [sflag:s21], $0x2000  }
0x2e: {  	s22 =	simm.s32 $0x3;
	s24 =	smax.u32 s24, $0x1;
	[sflag:s21] =	ssyncset.done $0x0  }
0x2f: {  	s23 =	sadd.s32 $0xC00, s30;
	p0 =	sne.s32 s24, $0x1;
	[sflag:s21] =	ssyncadd.s32 $0xFFFFE000  }
0x30: {  	[hbm4b:s23+s3] =	stream.linear.scatter [tilespmem:s12], [sflag:$0x3], $0x8000, $0x38;
	[tilespmem:$0xE200] =	vst v63  }
.Ltmp0:
0x31: {  	_ =	swait.ge [sflag:s22], $0x6000;
	(pc) =	sbr.rel @!p0 .LBB2_2-.Ltmp0, $4  }
0x32: {  	[sflag:s22] =	ssyncset.done $0x0  }
0x33: {  	[sflag:s22] =	ssyncadd.s32 $0xFFFFA000  }
0x34: {  	_ =	swait.ge [sflag:s22], $0x8000  }
0x35: {  	s24 =	sadd.s32 $0xFFFFFFFF, s24;
	[sflag:s22] =	ssyncset.done $0x0  }
.LBB2_1:
0x36: {  	p0 =	sne.s32 s24, $0x1;
	s24 =	sadd.s32 $0xFFFFFFFF, s24;
	[sflag:s22] =	ssyncadd.s32 $0xFFFF8000  }
0x37: {  	[tilespmem:s3], [sflag:$0x4] =	stream.linear.gather [hbm4b:s4+s3], $0x1C0, $0x38;
	[tilespmem:$0xE200] =	vst v63  }
0x38: {  	_ =	swait.ge [sflag:s5], $0x1C0  }
0x39: {  	[sflag:s5] =	ssyncset.done $0x0  }
0x3a: {  	[sflag:s5] =	ssyncadd.s32 $0xFFFFFE40  }
0x3b: {  	[tilespmem:s7], [sflag:$0x1] =	stream.indirect.gather [hbm4b:s2+s6], $0x80, s3, s6, $0xb8;
	[tilespmem:$0xE200] =	vst v63  }
0x3c: {  	_ = 	snop  }
0x3d: {  	[tilespmem:s8], [sflag:$0x1] =	stream.indirect.gather [hbm4b:s2+s6], $0x80, s6, s6, $0xb8;
	[tilespmem:$0xE200] =	vst v63  }
0x3e: {  	_ = 	snop  }
0x3f: {  	[tilespmem:s10], [sflag:$0x1] =	stream.indirect.gather [hbm4b:s2+s6], $0x80, s9, s6, $0xb8;
	[tilespmem:$0xE200] =	vst v63  }
0x40: {  	_ = 	snop  }
0x41: {  	[tilespmem:s12], [sflag:$0x2] =	stream.indirect.gather [hbm4b:s2+s6], $0x80, s11, s6, $0xb8;
	[tilespmem:$0xE200] =	vst v63  }
0x42: {  	_ = 	snop  }
0x43: {  	[tilespmem:s14], [sflag:$0x2] =	stream.indirect.gather [hbm4b:s2+s6], $0x80, s13, s6, $0xb8;
	[tilespmem:$0xE200] =	vst v63  }
0x44: {  	_ = 	snop  }
0x45: {  	[tilespmem:s16], [sflag:$0x2] =	stream.indirect.gather [hbm4b:s2+s6], $0x80, s15, s6, $0xb8;
	[tilespmem:$0xE200] =	vst v63  }
0x46: {  	_ = 	snop  }
0x47: {  	[tilespmem:s18], [sflag:$0x2] =	stream.indirect.gather [hbm4b:s2+s6], $0x80, s17, s6, $0xb8;
	[tilespmem:$0xE200] =	vst v63  }
0x48: {  	_ =	swait.ge [sflag:s19], $0x2000  }
0x49: {  	[sflag:s19] =	ssyncset.done $0x0  }
0x4a: {  	[sflag:s19] =	ssyncadd.s32 $0xFFFFE000  }
0x4b: {  	_ =	swait.ge [sflag:s19], $0x2000  }
0x4c: {  	[sflag:s19] =	ssyncset.done $0x0  }
0x4d: {  	[sflag:s19] =	ssyncadd.s32 $0xFFFFE000  }
0x4e: {  	_ =	swait.ge [sflag:s19], $0x2000  }
0x4f: {  	[sflag:s19] =	ssyncset.done $0x0  }
0x50: {  	[sflag:s19] =	ssyncadd.s32 $0xFFFFE000  }
0x51: {  	[hbm4b:s20+s3] =	stream.linear.scatter [tilespmem:s7], [sflag:$0x3], $0x6000, $0x38;
	[tilespmem:$0xE200] =	vst v63  }
0x52: {  	_ =	swait.ge [sflag:s21], $0x2000  }
0x53: {  	[sflag:s21] =	ssyncset.done $0x0  }
0x54: {  	[sflag:s21] =	ssyncadd.s32 $0xFFFFE000  }
0x55: {  	_ =	swait.ge [sflag:s21], $0x2000  }
0x56: {  	[sflag:s21] =	ssyncset.done $0x0  }
0x57: {  	[sflag:s21] =	ssyncadd.s32 $0xFFFFE000  }
0x58: {  	_ =	swait.ge [sflag:s21], $0x2000  }
0x59: {  	[sflag:s21] =	ssyncset.done $0x0  }
0x5a: {  	[sflag:s21] =	ssyncadd.s32 $0xFFFFE000  }
0x5b: {  	_ =	swait.ge [sflag:s21], $0x2000  }
0x5c: {  	[sflag:s21] =	ssyncset.done $0x0  }
0x5d: {  	[sflag:s21] =	ssyncadd.s32 $0xFFFFE000  }
0x5e: {  	[hbm4b:s23+s3] =	stream.linear.scatter [tilespmem:s12], [sflag:$0x3], $0x8000, $0x38;
	[tilespmem:$0xE200] =	vst v63  }
.Ltmp1:
0x5f: {  	_ =	swait.ge [sflag:s22], $0x6000;
	(pc) =	sbr.rel @p0 .LBB2_1-.Ltmp1, $4  }
0x60: {  	[sflag:s22] =	ssyncset.done $0x0  }
0x61: {  	[sflag:s22] =	ssyncadd.s32 $0xFFFFA000  }
0x62: {  	_ =	swait.ge [sflag:s22], $0x8000  }
0x63: {  	[sflag:s22] =	ssyncset.done $0x0  }
.LBB2_2:
0x64: {  	[sflag:s22] =	ssyncadd.s32 $0xFFFF8000  }
0x65: {  	_ =	sfence.sel $0x180000  }
0x66: {  	[bflag:$0x0] =	sbarrier.arrive $0xFFFF  }
0x67: {  	p0 =	sne.s32 s0, $0x0;
	_ =	strace $0x9000004D  }
0x68: {  	s0 =	sadd.s32 @!p0 $0x100000, s1;
	[bflag:$0x2] =	sbarrier.arrive $0xFFFF  }
0x69: {  	[sflag:s0] =	ssyncadd.tile.s32 @!p0 $0x1;
	_ =	shalt  }
.Lfunc_end2:
_tile_overlayer_lowered:
.L_overlay_start_2:
0x6a: {  	(tag) =	ssettag $0x2  }
0x6b: {  	s0 =	rddreg [dreg:$0x0];
	s2 =	stileid.u32  }
0x6c: {  	s1 =	rddreg [dreg:$0x1];
	p0 =	sne.s32 s2, $0x0  }
0x6d: {  	s3 =	rddreg [dreg:$0x2];
	[bflag:$0x3] =	sbarrier.arrive $0xFFFF;
	s2 =	simm.s32 @!p0 $0x1C04  }
0x6e: {  	[timem:s3], [sflag:s2] =	dma.local @!p0 [hbm:s0], s1  }
0x6f: {  	s0 =	simm.s32 @!p0 $0x4  }
0x70: {  	_ =	swait.ge @!p0 [sflag:s0], s1  }
0x71: {  	s1 =	ssub.s32 @!p0 $0x0, s1;
	[sflag:s0] =	ssyncset.done @!p0 $0x0  }
0x72: {  	[sflag:s0] =	ssyncadd.s32 @!p0 s1  }
0x73: {  	[bflag:$0x3] =	sbarrier.arrive $0xFFFF  }
0x74: {  	_ =	shalt  }

// kernel: kernel.19.cloned.1.call-start
scs
__scs_entry_jumppad:
0x0: {  	(pc) =	sbr.rel $0x88, $3  }
0x1: {  	(tag) =	ssettag $0x0;
	lr =	simm.s32 $0x1  }
0x2: {  	[smem:$0x3F9C] =	sst lr;
	_ =	strace $0xD0000000  }
0x3: {  	_ = 	snop  }
0x4: {  	_ = 	snop  }
0x5: {  	_ = 	snop  }
0x6: {  	_ = 	snop  }
0x7: {  	_ = 	snop  }
__scs_overlays_trampoline_lowered:
0x8: {  	[smem:$0x3FAB] =	sst s0  }
0x9: {  	[smem:$0x3FAC] =	sst s1  }
0xa: {  	[smem:$0x3FAD] =	sst s2  }
0xb: {  	[smem:$0x3FAE] =	sst s3  }
0xc: {  	[smem:$0x3FAF] =	sst s4  }
0xd: {  	[smem:$0x3FB0] =	sst s5  }
0xe: {  	[smem:$0x3FB1] =	sst s6  }
0xf: {  	[smem:$0x3FB2] =	sst s7  }
0x10: {  	[smem:$0x3FB3] =	sst s8  }
0x11: {  	[smem:$0x3FB4] =	sst s9;
	s0 =	simm.s32 @!p0 $0x0  }
0x12: {  	s1 =	sld [smem:$0x3F9A];
	s0 =	simm.s32 @p0 $0x1  }
0x13: {  	[smem:$0x3FB5] =	sst s0;
	s0 =	simm.s32 @!p1 $0x0  }
0x14: {  	s2 =	sld [smem:$0x3F99];
	s0 =	simm.s32 @p1 $0x1  }
0x15: {  	[smem:$0x3FB6] =	sst s0;
	s0 =	simm.s32 @!p2 $0x0  }
0x16: {  	s3 =	sld [smem:$0x3FDB];
	s0 =	simm.s32 @p2 $0x1  }
0x17: {  	s4 =	simm.s32 $0x1BF5;
	[smem:$0x3FB8] =	sst s0  }
0x18: {  	s0 =	sld [smem:$0x3F9B];
	_ =	swait.ge [sflag:s4], $0x0  }
0x19: {  	s7 =	sld [smem:$0x3F9C]  }
0x1a: {  	s8 =	sadd.s32 $0xFFFFE003, lr  }
0x1b: {  	s9 =	sadd.s32 $0xFFFFFEF7, lr;
	s5 =	simm.s32 $0xFFFFFFFF;
	p2 =	slt.u32 s8, $0xFFFFF086  }
0x1c: {  	p1 =	slt.u32 s9, $0xF7A;
	s5 =	simm.s32 @!p2 $0x0  }
0x1d: {  	s5 =	simm.s32 @p1 $0x1;
	p0 =	seq.s32 s7, s2  }
0x1e: {  	s7 =	smul.u32 @!p0 $0xF7A, s2;
	p2 =	seq.s32 @!p0 s5, $0x0  }
0x1f: {  	s9 =	smul.u32 $0xF7A, s1;
	s8 =	simm.s32 @!p0 $0x1BF5;
	p2 =	por !p2, p0  }
0x20: {  	[sflag:s8] =	ssyncset.s32 @!p0 $0xFFFFF086;
	s6 =	sadd.s32 @!p0 s3, s7;
	s7 =	simm.s32 @!p0 $0x108  }
0x21: {  	s3 =	sadd.s32 s3, s9;
	s6 =	sadd.s32 @!p0 $0x88, s6;
	s7 =	simm.s32 @p2 $0x1082  }
0x22: {  	[simem:s7], [sflag:s8] =	dma.local @!p0 [hbm:s6], $0xF7A  }
0x23: {  	s9 =	sor.u32 $0xD0000000, s2;
	s6 =	simm.s32 $0x108;
	_ =	swait.ge @!p0 [sflag:s8], $0x0  }
0x24: {  	s3 =	sadd.s32 $0x88, s3;
	s6 =	simm.s32 @!p1 $0x1082;
	[sflag:s4] =	ssyncset.s32 $0xFFFFF086  }
0x25: {  	[simem:s6], [sflag:s4] =	dma.local [hbm:s3], $0xF7A  }
0x26: {  	[smem:$0x3F9C] =	sst s1;
	(tag) =	ssettag s2;
	_ =	strace s9  }
0x27: {  	s1 =	sld [smem:$0x3FAC]  }
0x28: {  	s2 =	sld [smem:$0x3FAD]  }
0x29: {  	s4 =	sld [smem:$0x3FAF]  }
0x2a: {  	p0 =	seq.s32 s5, $0x0;
	s5 =	sld [smem:$0x3FB0]  }
0x2b: {  	s6 =	sld [smem:$0x3FB1]  }
0x2c: {  	s7 =	sld [smem:$0x3FB2]  }
0x2d: {  	s3 =	simm.s32 $0x108;
	s8 =	sld [smem:$0x3FB3]  }
0x2e: {  	s3 =	simm.s32 @!p0 $0x1082;
	s9 =	sld [smem:$0x3FB4]  }
0x2f: {  	lr =	sadd.s32 s0, s3;
	s0 =	sld [smem:$0x3FAB]  }
0x30: {  	s3 =	sld [smem:$0x3FAE]  }
0x31: {  	[smem:$0x3FB7] =	sst s10  }
0x32: {  	s10 =	sld [smem:$0x3FB5];
	_ =	sdelay $0x3  }
0x33: {  	p0 =	seq.s32 s10, $0x1;
	s10 =	sld [smem:$0x3FB7];
	_ =	sdelay $0x3  }
0x34: {  	[smem:$0x3FB7] =	sst s10  }
0x35: {  	s10 =	sld [smem:$0x3FB6];
	_ =	sdelay $0x3  }
0x36: {  	p1 =	seq.s32 s10, $0x1;
	s10 =	sld [smem:$0x3FB7];
	_ =	sdelay $0x3  }
0x37: {  	[smem:$0x3FB7] =	sst s10  }
0x38: {  	s10 =	sld [smem:$0x3FB8]  }
0x39: {  	_ = 	snop;
	(pc) =	sbr.ind lr, $3  }
0x3a: {  	_ = 	snop  }
0x3b: {  	_ = 	snop  }
0x3c: {  	p2 =	seq.s32 s10, $0x1;
	s10 =	sld [smem:$0x3FB7]  }
0x3d: {  	_ =	shalt  }
0x3e: {  	_ =	shalt  }
0x3f: {  	_ =	shalt  }
0x40: {  	_ =	shalt  }
0x41: {  	_ =	shalt  }
0x42: {  	_ =	shalt  }
0x43: {  	_ =	shalt  }
0x44: {  	_ =	shalt  }
0x45: {  	_ =	shalt  }
0x46: {  	_ =	shalt  }
0x47: {  	_ =	shalt  }
0x48: {  	_ =	shalt  }
0x49: {  	_ =	shalt  }
0x4a: {  	_ =	shalt  }
0x4b: {  	_ =	shalt  }
0x4c: {  	_ =	shalt  }
0x4d: {  	_ =	shalt  }
0x4e: {  	_ =	shalt  }
0x4f: {  	_ =	shalt  }
0x50: {  	_ =	shalt  }
0x51: {  	_ =	shalt  }
0x52: {  	_ =	shalt  }
0x53: {  	_ =	shalt  }
0x54: {  	_ =	shalt  }
0x55: {  	_ =	shalt  }
0x56: {  	_ =	shalt  }
0x57: {  	_ =	shalt  }
0x58: {  	_ =	shalt  }
0x59: {  	_ =	shalt  }
0x5a: {  	_ =	shalt  }
0x5b: {  	_ =	shalt  }
0x5c: {  	_ =	shalt  }
0x5d: {  	_ =	shalt  }
0x5e: {  	_ =	shalt  }
0x5f: {  	_ =	shalt  }
0x60: {  	_ =	shalt  }
0x61: {  	_ =	shalt  }
0x62: {  	_ =	shalt  }
0x63: {  	_ =	shalt  }
0x64: {  	_ =	shalt  }
0x65: {  	_ =	shalt  }
0x66: {  	_ =	shalt  }
0x67: {  	_ =	shalt  }
0x68: {  	_ =	shalt  }
0x69: {  	_ =	shalt  }
0x6a: {  	_ =	shalt  }
0x6b: {  	_ =	shalt  }
0x6c: {  	_ =	shalt  }
0x6d: {  	_ =	shalt  }
0x6e: {  	_ =	shalt  }
0x6f: {  	_ =	shalt  }
0x70: {  	_ =	shalt  }
0x71: {  	_ =	shalt  }
0x72: {  	_ =	shalt  }
0x73: {  	_ =	shalt  }
0x74: {  	_ =	shalt  }
0x75: {  	_ =	shalt  }
0x76: {  	_ =	shalt  }
0x77: {  	_ =	shalt  }
0x78: {  	_ =	shalt  }
0x79: {  	_ =	shalt  }
0x7a: {  	_ =	shalt  }
0x7b: {  	_ =	shalt  }
0x7c: {  	_ =	shalt  }
0x7d: {  	_ =	shalt  }
0x7e: {  	_ =	shalt  }
0x7f: {  	_ =	shalt  }
0x80: {  	_ =	shalt  }
0x81: {  	_ =	shalt  }
0x82: {  	_ =	shalt  }
0x83: {  	_ =	shalt  }
0x84: {  	_ =	shalt  }
0x85: {  	_ =	shalt  }
0x86: {  	_ =	shalt  }
0x87: {  	_ =	shalt  }
.Lfunc_end0:
.L_simem_size_0:
called_computation.3_lowered:
.L_overlay_start_0:
0x88: {  	s2 =	sld [smem:$0x3FD9]  }
0x89: {  	s3 =	sld [smem:$0x3FFE];
	_ =	sdelay $0x1  }
0x8a: {  	s1 =	srdreg.scid  }
0x8b: {  	s0 =	sand.u32 $0x1, s1  }
0x8c: {  	s17 =	sshll.u32 s0, $0xA;
	s2 =	sadd.s32 s3, s2  }
0x8d: {  	s2 =	sadd.s32 s2, s17  }
0x8e: {  	[smem:$0x3FC3] =	sst s2  }
0x8f: {  	_ = 	snop  }
0x90: {  	s18 =	sld [smem:$0x3FC8];
	(tm) =	ssettm $0x1  }
0x91: {  	s19 =	sld [smem:$0x3FFB];
	_ =	sdelay $0x3  }
0x92: {  	_ =	strace s19  }
0x93: {  	s2 =	sld [smem:$0x3FFC];
	_ =	sdelay $0x3  }
0x94: {  	_ =	strace s2  }
0x95: {  	s2 =	sld [smem:$0x3FFD];
	_ =	sdelay $0x3  }
0x96: {  	_ =	strace s2  }
0x97: {  	_ =	strace $0x8FFFFFFF  }
0x98: {  	s20 =	sld [smem:$0x3FDB];
	_ =	sdelay $0x1  }
0x99: {  	s4 =	simm.s32 $_scs_section_size  }
0x9a: {  	s5 =	simm.s32 $_size__tile_overlayer_lowered;
	s6 =	simm.s32 $_tile_overlayer_lowered  }
0x9b: {  	s7 =	simm.s32 $0x1BFF;
	s21 =	sshll.u32 s6, $0x1;
	s4 =	sadd.s32 s4, s20  }
0x9c: {  	s22 =	simm.s32 $0x0;
	s5 =	sshll.u32 s5, $0x1;
	s6 =	sadd.s32 s21, s4  }
0x9d: {  	[timem:s22], [sflag:s7] =	dma.local [hbm:s6], s5  }
0x9e: {  	_ =	swait.ge [sflag:s7], s5  }
0x9f: {  	s5 =	ssub.s32 $0x0, s5;
	[sflag:s7] =	ssyncset.done $0x0  }
0xa0: {  	[sflag:s7] =	ssyncadd.s32 s5;
	_ =	sdelay $0x1  }
0xa1: {  	s23 =	simm.s32 $0x1B8B  }
0xa2: {  	_ =	swait.ge [sflag:s23], $0x1  }
0xa3: {  	[sflag:s23] =	ssyncset.done $0x0  }
0xa4: {  	[sflag:s23] =	ssyncadd.s32 $0xFFFFFFFF  }
0xa5: {  	s5 =	sld [smem:$0x0]  }
0xa6: {  	s6 =	sand.u32 $0xFFFFFFFE, s1  }
0xa7: {  	p0 =	sne.s32 s1, s6  }
0xa8: {  	s6 =	sshll.u32 @p0 s6, $0xE  }
0xa9: {  	s6 =	sadd.s32 @p0 $0x11B8D, s6;
	s7 =	sshll.u32 @p0 s5, $0x11  }
0xaa: {  	s6 =	sor.u32 @p0 s7, s6  }
0xab: {  	[sflag:s6] =	ssyncadd.remote.s32 @p0 $0x1;
	_ =	sdelay $0x1  }
0xac: {  	s6 =	simm.s32 @p0 $0x1B8D  }
0xad: {  	_ =	swait.eq @p0 [sflag:s6], $0x1  }
0xae: {  	[sflag:s6] =	ssyncadd.s32 @p0 $0xFFFFFFFF  }
0xaf: {  	s7 =	sshll.u32 @!p0 s1, $0xE  }
0xb0: {  	s7 =	sor.u32 @!p0 $0x4000, s7;
	s6 =	simm.s32 @!p0 $0x1B8D  }
0xb1: {  	s5 =	sshll.u32 @!p0 s5, $0x11;
	s7 =	sadd.s32 @!p0 $0x11B8D, s7;
	_ =	swait.eq @!p0 [sflag:s6], $0x1  }
0xb2: {  	s5 =	sor.u32 @!p0 s5, s7;
	[sflag:s6] =	ssyncadd.s32 @!p0 $0xFFFFFFFF  }
0xb3: {  	s25 =	simm.s32 $0x1B8E;
	s24 =	sld [smem:$0x3FFE];
	[sflag:s5] =	ssyncadd.remote.s32 @!p0 $0x1  }
0xb4: {  	s26 =	simm.s32 $execute0_lowered;
	[smem:$0x3FD2] =	sst s25  }
0xb5: {  	s6 =	sshll.u32 s26, $0x1;
	_ =	strace $0x8000004F;
	[dreg:$0x1] =	wrdreg $0xFFFFFFFF  }
0xb6: {  	s28 =	simm.s32 $_size_execute0_lowered;
	s4 =	sadd.s32 s4, s6;
	[dreg:$0x0] =	wrdreg $0x0  }
0xb7: {  	s6 =	sshll.u32 s28, $0x1;
	[dreg:$0x2] =	wrdreg s4  }
0xb8: {  	[dreg:$0x3] =	wrdreg s6  }
0xb9: {  	[dreg:$0x4] =	wrdreg $0xC0  }
0xba: {  	_ =	task [dreg:s22], $0x5FFFF  }
0xbb: {  	[dreg:$0x1] =	wrdreg $0xFFFFFFFF  }
0xbc: {  	[dreg:$0x0] =	wrdreg $0x60  }
0xbd: {  	[dreg:$0x2] =	wrdreg s18  }
0xbe: {  	[dreg:$0x3] =	wrdreg s24  }
0xbf: {  	[dreg:$0x4] =	wrdreg $0xC  }
0xc0: {  	_ =	task.clear_ibuf [dreg:s22], $0x5FFFF;
	_ =	strace $0x9000004F  }
0xc1: {  	s29 =	simm.s32 $0xC;
	_ =	strace $0x80000051  }
0xc2: {  	_ =	swait.ge [sflag:s29], $0x1  }
0xc3: {  	[sflag:s29] =	ssyncadd.s32 $0xFFFFFFFF  }
0xc4: {  	_ =	strace $0x90000051  }
0xc5: {  	_ =	sfence  }
0xc6: {  	s30 =	sld [smem:$0x0];
	_ =	sdelay $0x2  }
0xc7: {  	s31 =	sshll.u32 s1, $0xD;
	s1 =	sshrl.u32 s1, $0x2  }
0xc8: {  	s4 =	sand.u32 $0x4000, s31;
	s1 =	sadd.s32 s1, s30  }
0xc9: {  	s0 =	sor.u32 s4, s0;
	s1 =	sshll.u32 s1, $0x11  }
0xca: {  	s0 =	sor.u32 s1, s0  }
0xcb: {  	s0 =	sadd.s32 $0x8F2B, s0  }
0xcc: {  	[sflag:s0] =	ssyncadd.remote.s32 $0x1  }
0xcd: {  	_ =	sfence.sel $0xFFFF  }
0xce: {  	[dreg:$0x0] =	wrdreg $0xFFFFFFFF;
	(pc) =	sbr.abs _section_cstart, $3  }
0xcf: {  	[dreg:$0x1] =	wrdreg $0xFFFFFFFF  }
0xd0: {  	_ =	task.clear_ibuf [dreg:s22], $0x2FFFF;
	_ =	strace $0x9FFFFFFF  }
0xd1: {  	(tm) =	ssettm $0x7FFFFFFF  }
tec
execute0_lowered:
.L_overlay_start_1:
0x0: {  	(tag) =	ssettag $0x1  }
0x1: {  	s0 =	srdreg.scid  }
0x2: {  	s1 =	stileid.u32;
	s4 =	rddreg [dreg:$0x0]  }
0x3: {  	s3 =	rddreg [dreg:$0x1];
	s2 =	simm.s32 $0x0;
	s10 =	simm.s32 $0x4  }
0x4: {  	s25 =	simm.s32 $0x2380;
	s8 =	simm.s32 $0x40;
	s26 =	simm.s32 $0x80  }
0x5: {  	s13 =	simm.s32 $0xC0;
	s14 =	simm.s32 $0x6380;
	s15 =	simm.s32 $0x100  }
0x6: {  	s16 =	simm.s32 $0x8380;
	s17 =	simm.s32 $0x140;
	s18 =	simm.s32 $0xA380  }
0x7: {  	s19 =	simm.s32 $0x180;
	s20 =	simm.s32 $0x1C0;
	s28 =	simm.s32 $0x14380  }
0x8: {  	s29 =	simm.s32 $0x2C0;
	p0 =	por $0x0, $0x0;
	s30 =	simm.s32 $0x16380  }
0x9: {  	s31 =	simm.s32 $0x300;
	s12 =	simm.s32 $0x18380;
	s9 =	simm.s32 $0x1  }
0xa: {  	s0 =	sand.u32 $0x1, s0;
	s1 =	sshll.u32 s1, $0x1;
	[smem:$0x7FF] =	sst s2  }
0xb: {  	s7 =	sadd.s32 $0x5B600, s3;
	s1 =	sor.u32 s0, s1;
	_ =	strace $0x80000050  }
0xc: {  	s0 =	ssub.s32 $0x2, s0;
	[dreg:$0x6] =	wrdreg s25;
	s5 =	smul.u32 $0x340, s1  }
0xd: {  	[dreg:$0x7] =	wrdreg s26;
	s25 =	simm.s32 $0x12380;
	s6 =	smul.u32 $0x1A000, s1  }
0xe: {  	s26 =	simm.s32 $0x280;
	s1 =	smul.u32 $0x3400, s1;
	s23 =	sshrl.u32 s0, $0x1  }
0xf: {  	s0 =	ssub.s32 s0, s23;
	s23 =	simm.s32 $0x10380;
	s5 =	sshrl.u32 s5, $0x3  }
0x10: {  	s21 =	sshrl.u32 s6, $0x3;
	s1 =	sadd.s32 s7, s1;
	s0 =	smax.u32 s0, $0x1  }
0x11: {  	s6 =	simm.s32 $0x380;
	s3 =	sadd.s32 s3, s5;
	p1 =	sne.s32 s0, $0x1  }
.Ltmp0:
0x12: {  	s22 =	sadd.s32 s7, s21;
	[dreg:$0x4] =	wrdreg s1;
	(pc) =	sbr.rel @!p1 .LBB2_1-.Ltmp0, $4  }
0x13: {  	s21 =	simm.s32 $0xE380;
	s11 =	sadd.s32 $0xFFFFFFFF, s0;
	s3 =	sadd.s32 $0x2800, s3  }
0x14: {  	s7 =	simm.s32 $0x2;
	s24 =	sadd.s32 $0x1800, s22;
	[dreg:$0x3] =	wrdreg s3  }
0x15: {  	s5 =	simm.s32 $0x3;
	s22 =	simm.s32 $0x200;
	[dreg:$0x5] =	wrdreg s24  }
0x16: {  	s3 =	simm.s32 $0xC380;
	s24 =	simm.s32 $0x240;
	s0 =	rddreg [dreg:$0x3]  }
0x17: {  	[tilespmem:s2], [sflag:$0x4] =	stream.linear.gather [hbm4b:s0+s2], $0x340, $0x38;
	[tilespmem:$0x1A380] =	vst v63  }
0x18: {  	_ =	swait.ge [sflag:s10], $0x340  }
0x19: {  	[sflag:s10] =	ssyncset.done $0x0  }
0x1a: {  	[sflag:s10] =	ssyncadd.s32 $0xFFFFFCC0  }
0x1b: {  	[tilespmem:s6], [sflag:$0x1] =	stream.indirect.gather [hbm4b:s4+s8], $0x80, s2, s8, $0xb8;
	[tilespmem:$0x1A380] =	vst v63  }
0x1c: {  	s0 =	rddreg [dreg:$0x6]  }
0x1d: {  	[tilespmem:s0], [sflag:$0x1] =	stream.indirect.gather [hbm4b:s4+s8], $0x80, s8, s8, $0xb8;
	[tilespmem:$0x1A380] =	vst v63  }
0x1e: {  	s1 =	rddreg [dreg:$0x7];
	s0 =	simm.s32 $0x4380  }
0x1f: {  	[tilespmem:s0], [sflag:$0x1] =	stream.indirect.gather [hbm4b:s4+s8], $0x80, s1, s8, $0xb8;
	[tilespmem:$0x1A380] =	vst v63  }
0x20: {  	_ = 	snop  }
0x21: {  	[tilespmem:s14], [sflag:$0x1] =	stream.indirect.gather [hbm4b:s4+s8], $0x80, s13, s8, $0xb8;
	[tilespmem:$0x1A380] =	vst v63  }
0x22: {  	_ = 	snop  }
0x23: {  	[tilespmem:s16], [sflag:$0x1] =	stream.indirect.gather [hbm4b:s4+s8], $0x80, s15, s8, $0xb8;
	[tilespmem:$0x1A380] =	vst v63  }
0x24: {  	_ = 	snop  }
0x25: {  	[tilespmem:s18], [sflag:$0x1] =	stream.indirect.gather [hbm4b:s4+s8], $0x80, s17, s8, $0xb8;
	[tilespmem:$0x1A380] =	vst v63  }
0x26: {  	_ = 	snop  }
0x27: {  	[tilespmem:s3], [sflag:$0x2] =	stream.indirect.gather [hbm4b:s4+s8], $0x80, s19, s8, $0xb8;
	[tilespmem:$0x1A380] =	vst v63  }
0x28: {  	_ = 	snop  }
0x29: {  	[tilespmem:s21], [sflag:$0x2] =	stream.indirect.gather [hbm4b:s4+s8], $0x80, s20, s8, $0xb8;
	[tilespmem:$0x1A380] =	vst v63  }
0x2a: {  	_ = 	snop  }
0x2b: {  	[tilespmem:s23], [sflag:$0x2] =	stream.indirect.gather [hbm4b:s4+s8], $0x80, s22, s8, $0xb8;
	[tilespmem:$0x1A380] =	vst v63  }
0x2c: {  	_ = 	snop  }
0x2d: {  	[tilespmem:s25], [sflag:$0x2] =	stream.indirect.gather [hbm4b:s4+s8], $0x80, s24, s8, $0xb8;
	[tilespmem:$0x1A380] =	vst v63  }
0x2e: {  	_ = 	snop  }
0x2f: {  	[tilespmem:s28], [sflag:$0x2] =	stream.indirect.gather [hbm4b:s4+s8], $0x80, s26, s8, $0xb8;
	[tilespmem:$0x1A380] =	vst v63  }
0x30: {  	_ = 	snop  }
0x31: {  	[tilespmem:s30], [sflag:$0x2] =	stream.indirect.gather [hbm4b:s4+s8], $0x80, s29, s8, $0xb8;
	[tilespmem:$0x1A380] =	vst v63  }
0x32: {  	_ = 	snop  }
0x33: {  	[tilespmem:s12], [sflag:$0x2] =	stream.indirect.gather [hbm4b:s4+s8], $0x80, s31, s8, $0xb8;
	[tilespmem:$0x1A380] =	vst v63  }
0x34: {  	_ =	swait.ge [sflag:s9], $0x2000  }
0x35: {  	[sflag:s9] =	ssyncset.done $0x0  }
0x36: {  	[sflag:s9] =	ssyncadd.s32 $0xFFFFE000  }
0x37: {  	_ =	swait.ge [sflag:s9], $0x2000  }
0x38: {  	[sflag:s9] =	ssyncset.done $0x0  }
0x39: {  	[sflag:s9] =	ssyncadd.s32 $0xFFFFE000  }
0x3a: {  	_ =	swait.ge [sflag:s9], $0x2000  }
0x3b: {  	[sflag:s9] =	ssyncset.done $0x0  }
0x3c: {  	[sflag:s9] =	ssyncadd.s32 $0xFFFFE000  }
0x3d: {  	_ =	swait.ge [sflag:s9], $0x2000  }
0x3e: {  	[sflag:s9] =	ssyncset.done $0x0  }
0x3f: {  	[sflag:s9] =	ssyncadd.s32 $0xFFFFE000  }
0x40: {  	_ =	swait.ge [sflag:s9], $0x2000  }
0x41: {  	[sflag:s9] =	ssyncset.done $0x0  }
0x42: {  	[sflag:s9] =	ssyncadd.s32 $0xFFFFE000  }
0x43: {  	_ =	swait.ge [sflag:s9], $0x2000  }
0x44: {  	[sflag:s9] =	ssyncset.done $0x0  }
0x45: {  	s1 =	rddreg [dreg:$0x4];
	[sflag:s9] =	ssyncadd.s32 $0xFFFFE000  }
0x46: {  	[hbm4b:s1+s2] =	stream.linear.scatter [tilespmem:s6], [sflag:$0x3], $0xC000, $0x38;
	[tilespmem:$0x1A380] =	vst v63  }
0x47: {  	_ =	swait.ge [sflag:s7], $0x2000  }
0x48: {  	[sflag:s7] =	ssyncset.done $0x0  }
0x49: {  	[sflag:s7] =	ssyncadd.s32 $0xFFFFE000  }
0x4a: {  	_ =	swait.ge [sflag:s7], $0x2000  }
0x4b: {  	[sflag:s7] =	ssyncset.done $0x0  }
0x4c: {  	[sflag:s7] =	ssyncadd.s32 $0xFFFFE000  }
0x4d: {  	_ =	swait.ge [sflag:s7], $0x2000  }
0x4e: {  	[sflag:s7] =	ssyncset.done $0x0  }
0x4f: {  	[sflag:s7] =	ssyncadd.s32 $0xFFFFE000  }
0x50: {  	_ =	swait.ge [sflag:s7], $0x2000  }
0x51: {  	[sflag:s7] =	ssyncset.done $0x0  }
0x52: {  	[sflag:s7] =	ssyncadd.s32 $0xFFFFE000  }
0x53: {  	_ =	swait.ge [sflag:s7], $0x2000  }
0x54: {  	[sflag:s7] =	ssyncset.done $0x0  }
0x55: {  	[sflag:s7] =	ssyncadd.s32 $0xFFFFE000  }
0x56: {  	_ =	swait.ge [sflag:s7], $0x2000  }
0x57: {  	[sflag:s7] =	ssyncset.done $0x0  }
0x58: {  	[sflag:s7] =	ssyncadd.s32 $0xFFFFE000  }
0x59: {  	_ =	swait.ge [sflag:s7], $0x2000  }
0x5a: {  	[sflag:s7] =	ssyncset.done $0x0  }
0x5b: {  	p1 =	sne.s32 s11, $0x1;
	s1 =	rddreg [dreg:$0x5];
	[sflag:s7] =	ssyncadd.s32 $0xFFFFE000  }
0x5c: {  	[hbm4b:s1+s2] =	stream.linear.scatter [tilespmem:s3], [sflag:$0x3], $0xE000, $0x38;
	[tilespmem:$0x1A380] =	vst v63  }
.Ltmp1:
0x5d: {  	_ =	swait.ge [sflag:s5], $0xC000;
	(pc) =	sbr.rel @!p1 .LBB2_3-.Ltmp1, $4  }
0x5e: {  	[sflag:s5] =	ssyncset.done $0x0  }
0x5f: {  	[sflag:s5] =	ssyncadd.s32 $0xFFFF4000  }
0x60: {  	p0 =	por $0x1, $0x1;
	_ =	swait.ge [sflag:s5], $0xE000  }
0x61: {  	s1 =	sadd.s32 $0xFFFFFFFF, s11;
	s0 =	rddreg [dreg:$0x3];
	[sflag:s5] =	ssyncset.done $0x0  }
.LBB2_4:
0x62: {  	[sflag:s5] =	ssyncadd.s32 $0xFFFF2000  }
0x63: {  	[tilespmem:s2], [sflag:$0x4] =	stream.linear.gather [hbm4b:s0+s2], $0x340, $0x38;
	[tilespmem:$0x1A380] =	vst v63  }
0x64: {  	_ =	swait.ge [sflag:s10], $0x340  }
0x65: {  	[sflag:s10] =	ssyncset.done $0x0  }
0x66: {  	[sflag:s10] =	ssyncadd.s32 $0xFFFFFCC0  }
0x67: {  	[tilespmem:s6], [sflag:$0x1] =	stream.indirect.gather [hbm4b:s4+s8], $0x80, s2, s8, $0xb8;
	[tilespmem:$0x1A380] =	vst v63  }
0x68: {  	s0 =	rddreg [dreg:$0x6]  }
0x69: {  	[tilespmem:s0], [sflag:$0x1] =	stream.indirect.gather [hbm4b:s4+s8], $0x80, s8, s8, $0xb8;
	[tilespmem:$0x1A380] =	vst v63  }
0x6a: {  	s11 =	rddreg [dreg:$0x7];
	s0 =	simm.s32 $0x4380  }
0x6b: {  	[tilespmem:s0], [sflag:$0x1] =	stream.indirect.gather [hbm4b:s4+s8], $0x80, s11, s8, $0xb8;
	[tilespmem:$0x1A380] =	vst v63  }
0x6c: {  	_ = 	snop  }
0x6d: {  	[tilespmem:s14], [sflag:$0x1] =	stream.indirect.gather [hbm4b:s4+s8], $0x80, s13, s8, $0xb8;
	[tilespmem:$0x1A380] =	vst v63  }
0x6e: {  	_ = 	snop  }
0x6f: {  	[tilespmem:s16], [sflag:$0x1] =	stream.indirect.gather [hbm4b:s4+s8], $0x80, s15, s8, $0xb8;
	[tilespmem:$0x1A380] =	vst v63  }
0x70: {  	_ = 	snop  }
0x71: {  	[tilespmem:s18], [sflag:$0x1] =	stream.indirect.gather [hbm4b:s4+s8], $0x80, s17, s8, $0xb8;
	[tilespmem:$0x1A380] =	vst v63  }
0x72: {  	_ = 	snop  }
0x73: {  	[tilespmem:s3], [sflag:$0x2] =	stream.indirect.gather [hbm4b:s4+s8], $0x80, s19, s8, $0xb8;
	[tilespmem:$0x1A380] =	vst v63  }
0x74: {  	_ = 	snop  }
0x75: {  	[tilespmem:s21], [sflag:$0x2] =	stream.indirect.gather [hbm4b:s4+s8], $0x80, s20, s8, $0xb8;
	[tilespmem:$0x1A380] =	vst v63  }
0x76: {  	_ = 	snop  }
0x77: {  	[tilespmem:s23], [sflag:$0x2] =	stream.indirect.gather [hbm4b:s4+s8], $0x80, s22, s8, $0xb8;
	[tilespmem:$0x1A380] =	vst v63  }
0x78: {  	_ = 	snop  }
0x79: {  	[tilespmem:s25], [sflag:$0x2] =	stream.indirect.gather [hbm4b:s4+s8], $0x80, s24, s8, $0xb8;
	[tilespmem:$0x1A380] =	vst v63  }
0x7a: {  	_ = 	snop  }
0x7b: {  	[tilespmem:s28], [sflag:$0x2] =	stream.indirect.gather [hbm4b:s4+s8], $0x80, s26, s8, $0xb8;
	[tilespmem:$0x1A380] =	vst v63  }
0x7c: {  	_ = 	snop  }
0x7d: {  	[tilespmem:s30], [sflag:$0x2] =	stream.indirect.gather [hbm4b:s4+s8], $0x80, s29, s8, $0xb8;
	[tilespmem:$0x1A380] =	vst v63  }
0x7e: {  	_ = 	snop  }
0x7f: {  	[tilespmem:s12], [sflag:$0x2] =	stream.indirect.gather [hbm4b:s4+s8], $0x80, s31, s8, $0xb8;
	[tilespmem:$0x1A380] =	vst v63  }
0x80: {  	_ =	swait.ge [sflag:s9], $0x2000  }
0x81: {  	[sflag:s9] =	ssyncset.done $0x0  }
0x82: {  	[sflag:s9] =	ssyncadd.s32 $0xFFFFE000  }
0x83: {  	_ =	swait.ge [sflag:s9], $0x2000  }
0x84: {  	[sflag:s9] =	ssyncset.done $0x0  }
0x85: {  	[sflag:s9] =	ssyncadd.s32 $0xFFFFE000  }
0x86: {  	_ =	swait.ge [sflag:s9], $0x2000  }
0x87: {  	[sflag:s9] =	ssyncset.done $0x0  }
0x88: {  	[sflag:s9] =	ssyncadd.s32 $0xFFFFE000  }
0x89: {  	_ =	swait.ge [sflag:s9], $0x2000  }
0x8a: {  	[sflag:s9] =	ssyncset.done $0x0  }
0x8b: {  	[sflag:s9] =	ssyncadd.s32 $0xFFFFE000  }
0x8c: {  	_ =	swait.ge [sflag:s9], $0x2000  }
0x8d: {  	[sflag:s9] =	ssyncset.done $0x0  }
0x8e: {  	[sflag:s9] =	ssyncadd.s32 $0xFFFFE000  }
0x8f: {  	_ =	swait.ge [sflag:s9], $0x2000  }
0x90: {  	[sflag:s9] =	ssyncset.done $0x0  }
0x91: {  	s11 =	rddreg [dreg:$0x4];
	[sflag:s9] =	ssyncadd.s32 $0xFFFFE000  }
0x92: {  	[hbm4b:s11+s2] =	stream.linear.scatter [tilespmem:s6], [sflag:$0x3], $0xC000, $0x38;
	[tilespmem:$0x1A380] =	vst v63  }
0x93: {  	_ =	swait.ge [sflag:s7], $0x2000  }
0x94: {  	[sflag:s7] =	ssyncset.done $0x0  }
0x95: {  	[sflag:s7] =	ssyncadd.s32 $0xFFFFE000  }
0x96: {  	_ =	swait.ge [sflag:s7], $0x2000  }
0x97: {  	[sflag:s7] =	ssyncset.done $0x0  }
0x98: {  	[sflag:s7] =	ssyncadd.s32 $0xFFFFE000  }
0x99: {  	_ =	swait.ge [sflag:s7], $0x2000  }
0x9a: {  	[sflag:s7] =	ssyncset.done $0x0  }
0x9b: {  	[sflag:s7] =	ssyncadd.s32 $0xFFFFE000  }
0x9c: {  	_ =	swait.ge [sflag:s7], $0x2000  }
0x9d: {  	[sflag:s7] =	ssyncset.done $0x0  }
0x9e: {  	[sflag:s7] =	ssyncadd.s32 $0xFFFFE000  }
0x9f: {  	_ =	swait.ge [sflag:s7], $0x2000  }
0xa0: {  	[sflag:s7] =	ssyncset.done $0x0  }
0xa1: {  	[sflag:s7] =	ssyncadd.s32 $0xFFFFE000  }
0xa2: {  	_ =	swait.ge [sflag:s7], $0x2000  }
0xa3: {  	[sflag:s7] =	ssyncset.done $0x0  }
0xa4: {  	[sflag:s7] =	ssyncadd.s32 $0xFFFFE000  }
0xa5: {  	_ =	swait.ge [sflag:s7], $0x2000  }
0xa6: {  	[sflag:s7] =	ssyncset.done $0x0  }
0xa7: {  	p1 =	sne.s32 s1, $0x1;
	s11 =	rddreg [dreg:$0x5];
	[sflag:s7] =	ssyncadd.s32 $0xFFFFE000  }
0xa8: {  	[hbm4b:s11+s2] =	stream.linear.scatter [tilespmem:s3], [sflag:$0x3], $0xE000, $0x38;
	[tilespmem:$0x1A380] =	vst v63  }
.Ltmp2:
0xa9: {  	_ =	swait.ge [sflag:s5], $0xC000;
	(pc) =	sbr.rel @p1 .LBB2_4-.Ltmp2, $4  }
0xaa: {  	[sflag:s5] =	ssyncset.done $0x0  }
0xab: {  	[sflag:s5] =	ssyncadd.s32 $0xFFFF4000  }
0xac: {  	_ =	swait.ge [sflag:s5], $0xE000  }
0xad: {  	s1 =	sadd.s32 $0xFFFFFFFF, s1;
	s0 =	rddreg [dreg:$0x3];
	[sflag:s5] =	ssyncset.done $0x0  }
0xae: {  	s11 =	simm.s32 $0x18380;
	s31 =	simm.s32 $0x300  }
0xaf: {  	s30 =	simm.s32 $0x16380;
	s29 =	simm.s32 $0x2C0;
	s28 =	simm.s32 $0x14380  }
0xb0: {  	s26 =	simm.s32 $0x280;
	s25 =	simm.s32 $0x12380;
	s24 =	simm.s32 $0x240  }
0xb1: {  	s23 =	simm.s32 $0x10380;
	s22 =	simm.s32 $0x200;
	s21 =	simm.s32 $0xE380  }
0xb2: {  	s20 =	simm.s32 $0x1C0;
	s19 =	simm.s32 $0x180;
	s18 =	simm.s32 $0xA380  }
0xb3: {  	s17 =	simm.s32 $0x140;
	s16 =	simm.s32 $0x8380;
	s15 =	simm.s32 $0x100  }
0xb4: {  	s14 =	simm.s32 $0x6380;
	s13 =	simm.s32 $0xC0;
	s12 =	simm.s32 $0x4380  }
.LBB2_6:
0xb5: {  	[sflag:s5] =	ssyncadd.s32 @p0 $0xFFFF2000  }
0xb6: {  	[tilespmem:s2], [sflag:$0x4] =	stream.linear.gather [hbm4b:s0+s2], $0x340, $0x38;
	[tilespmem:$0x1A380] =	vst v63  }
0xb7: {  	_ =	swait.ge [sflag:s10], $0x340  }
0xb8: {  	[sflag:s10] =	ssyncset.done $0x0  }
0xb9: {  	[sflag:s10] =	ssyncadd.s32 $0xFFFFFCC0  }
0xba: {  	[tilespmem:s6], [sflag:$0x1] =	stream.indirect.gather [hbm4b:s4+s8], $0x80, s2, s8, $0xb8;
	[tilespmem:$0x1A380] =	vst v63  }
0xbb: {  	s10 =	rddreg [dreg:$0x6]  }
0xbc: {  	[tilespmem:s10], [sflag:$0x1] =	stream.indirect.gather [hbm4b:s4+s8], $0x80, s8, s8, $0xb8;
	[tilespmem:$0x1A380] =	vst v63  }
0xbd: {  	s1 =	rddreg [dreg:$0x7]  }
0xbe: {  	[tilespmem:s12], [sflag:$0x1] =	stream.indirect.gather [hbm4b:s4+s8], $0x80, s1, s8, $0xb8;
	[tilespmem:$0x1A380] =	vst v63  }
0xbf: {  	_ = 	snop  }
0xc0: {  	[tilespmem:s14], [sflag:$0x1] =	stream.indirect.gather [hbm4b:s4+s8], $0x80, s13, s8, $0xb8;
	[tilespmem:$0x1A380] =	vst v63  }
0xc1: {  	_ = 	snop  }
0xc2: {  	[tilespmem:s16], [sflag:$0x1] =	stream.indirect.gather [hbm4b:s4+s8], $0x80, s15, s8, $0xb8;
	[tilespmem:$0x1A380] =	vst v63  }
0xc3: {  	_ = 	snop  }
0xc4: {  	[tilespmem:s18], [sflag:$0x1] =	stream.indirect.gather [hbm4b:s4+s8], $0x80, s17, s8, $0xb8;
	[tilespmem:$0x1A380] =	vst v63  }
0xc5: {  	_ = 	snop  }
0xc6: {  	[tilespmem:s3], [sflag:$0x2] =	stream.indirect.gather [hbm4b:s4+s8], $0x80, s19, s8, $0xb8;
	[tilespmem:$0x1A380] =	vst v63  }
0xc7: {  	_ = 	snop  }
0xc8: {  	[tilespmem:s21], [sflag:$0x2] =	stream.indirect.gather [hbm4b:s4+s8], $0x80, s20, s8, $0xb8;
	[tilespmem:$0x1A380] =	vst v63  }
0xc9: {  	_ = 	snop  }
0xca: {  	[tilespmem:s23], [sflag:$0x2] =	stream.indirect.gather [hbm4b:s4+s8], $0x80, s22, s8, $0xb8;
	[tilespmem:$0x1A380] =	vst v63  }
0xcb: {  	_ = 	snop  }
0xcc: {  	[tilespmem:s25], [sflag:$0x2] =	stream.indirect.gather [hbm4b:s4+s8], $0x80, s24, s8, $0xb8;
	[tilespmem:$0x1A380] =	vst v63  }
0xcd: {  	_ = 	snop  }
0xce: {  	[tilespmem:s28], [sflag:$0x2] =	stream.indirect.gather [hbm4b:s4+s8], $0x80, s26, s8, $0xb8;
	[tilespmem:$0x1A380] =	vst v63  }
0xcf: {  	_ = 	snop  }
0xd0: {  	[tilespmem:s30], [sflag:$0x2] =	stream.indirect.gather [hbm4b:s4+s8], $0x80, s29, s8, $0xb8;
	[tilespmem:$0x1A380] =	vst v63  }
0xd1: {  	_ = 	snop  }
0xd2: {  	[tilespmem:s11], [sflag:$0x2] =	stream.indirect.gather [hbm4b:s4+s8], $0x80, s31, s8, $0xb8;
	[tilespmem:$0x1A380] =	vst v63  }
0xd3: {  	_ =	swait.ge [sflag:s9], $0x2000  }
0xd4: {  	[sflag:s9] =	ssyncset.done $0x0  }
0xd5: {  	[sflag:s9] =	ssyncadd.s32 $0xFFFFE000  }
0xd6: {  	_ =	swait.ge [sflag:s9], $0x2000  }
0xd7: {  	[sflag:s9] =	ssyncset.done $0x0  }
0xd8: {  	[sflag:s9] =	ssyncadd.s32 $0xFFFFE000  }
0xd9: {  	_ =	swait.ge [sflag:s9], $0x2000  }
0xda: {  	[sflag:s9] =	ssyncset.done $0x0  }
0xdb: {  	[sflag:s9] =	ssyncadd.s32 $0xFFFFE000  }
0xdc: {  	_ =	swait.ge [sflag:s9], $0x2000  }
0xdd: {  	[sflag:s9] =	ssyncset.done $0x0  }
0xde: {  	[sflag:s9] =	ssyncadd.s32 $0xFFFFE000  }
0xdf: {  	_ =	swait.ge [sflag:s9], $0x2000  }
0xe0: {  	[sflag:s9] =	ssyncset.done $0x0  }
0xe1: {  	[sflag:s9] =	ssyncadd.s32 $0xFFFFE000  }
0xe2: {  	_ =	swait.ge [sflag:s9], $0x2000  }
0xe3: {  	[sflag:s9] =	ssyncset.done $0x0  }
0xe4: {  	s29 =	rddreg [dreg:$0x4];
	[sflag:s9] =	ssyncadd.s32 $0xFFFFE000  }
0xe5: {  	[hbm4b:s29+s2] =	stream.linear.scatter [tilespmem:s6], [sflag:$0x3], $0xC000, $0x38;
	[tilespmem:$0x1A380] =	vst v63  }
0xe6: {  	_ =	swait.ge [sflag:s7], $0x2000  }
0xe7: {  	[sflag:s7] =	ssyncset.done $0x0  }
0xe8: {  	[sflag:s7] =	ssyncadd.s32 $0xFFFFE000  }
0xe9: {  	_ =	swait.ge [sflag:s7], $0x2000  }
0xea: {  	[sflag:s7] =	ssyncset.done $0x0  }
0xeb: {  	[sflag:s7] =	ssyncadd.s32 $0xFFFFE000  }
0xec: {  	_ =	swait.ge [sflag:s7], $0x2000  }
0xed: {  	[sflag:s7] =	ssyncset.done $0x0  }
0xee: {  	[sflag:s7] =	ssyncadd.s32 $0xFFFFE000  }
0xef: {  	_ =	swait.ge [sflag:s7], $0x2000  }
0xf0: {  	[sflag:s7] =	ssyncset.done $0x0  }
0xf1: {  	[sflag:s7] =	ssyncadd.s32 $0xFFFFE000  }
0xf2: {  	_ =	swait.ge [sflag:s7], $0x2000  }
0xf3: {  	[sflag:s7] =	ssyncset.done $0x0  }
0xf4: {  	[sflag:s7] =	ssyncadd.s32 $0xFFFFE000  }
0xf5: {  	_ =	swait.ge [sflag:s7], $0x2000  }
0xf6: {  	[sflag:s7] =	ssyncset.done $0x0  }
0xf7: {  	[sflag:s7] =	ssyncadd.s32 $0xFFFFE000  }
0xf8: {  	_ =	swait.ge [sflag:s7], $0x2000  }
0xf9: {  	[sflag:s7] =	ssyncset.done $0x0  }
0xfa: {  	s30 =	rddreg [dreg:$0x5];
	[sflag:s7] =	ssyncadd.s32 $0xFFFFE000  }
0xfb: {  	[hbm4b:s30+s2] =	stream.linear.scatter [tilespmem:s3], [sflag:$0x3], $0xE000, $0x38;
	[tilespmem:$0x1A380] =	vst v63  }
0xfc: {  	_ =	swait.ge [sflag:s5], $0xC000  }
0xfd: {  	[sflag:s5] =	ssyncset.done $0x0  }
0xfe: {  	[sflag:s5] =	ssyncadd.s32 $0xFFFF4000  }
0xff: {  	_ =	swait.ge [sflag:s5], $0xE000  }
0x100: {  	[sflag:s5] =	ssyncset.done $0x0  }
0x101: {  	[sflag:s5] =	ssyncadd.s32 $0xFFFF2000  }
0x102: {  	_ =	sfence.sel $0x180000  }
0x103: {  	[bflag:$0x0] =	sbarrier.arrive $0xFFFF  }
0x104: {  	_ =	strace $0x90000050  }
0x105: {  	s31 =	stileid.u32;
	[bflag:$0x2] =	sbarrier.arrive $0xFFFF  }
0x106: {  	p0 =	sne.s32 s31, $0x0;
	s0 =	rddreg [dreg:$0x2]  }
0x107: {  	s0 =	sadd.s32 @!p0 $0x100000, s0  }
0x108: {  	[sflag:s0] =	ssyncadd.tile.s32 @!p0 $0x1;
	_ =	shalt  }
.LBB2_1:
0x109: {  	s11 =	simm.s32 $0x18380;
	s31 =	simm.s32 $0x300;
	s30 =	simm.s32 $0x16380  }
0x10a: {  	s29 =	simm.s32 $0x2C0;
	s28 =	simm.s32 $0x14380;
	s26 =	simm.s32 $0x280  }
.Ltmp3:
0x10b: {  	s25 =	simm.s32 $0x12380;
	s24 =	simm.s32 $0x240;
	(pc) =	sbr.rel .LBB2_6-.Ltmp3, $4  }
0x10c: {  	s23 =	simm.s32 $0x10380;
	s22 =	simm.s32 $0x200;
	s21 =	simm.s32 $0xE380  }
0x10d: {  	s20 =	simm.s32 $0x1C0;
	s19 =	simm.s32 $0x180;
	s18 =	simm.s32 $0xA380  }
0x10e: {  	s17 =	simm.s32 $0x140;
	s16 =	simm.s32 $0x8380;
	s15 =	simm.s32 $0x100  }
0x10f: {  	s14 =	simm.s32 $0x6380;
	s13 =	simm.s32 $0xC0;
	s12 =	simm.s32 $0x4380  }
.LBB2_3:
0x110: {  	s11 =	simm.s32 $0x18380;
	s31 =	simm.s32 $0x300;
	s30 =	simm.s32 $0x16380  }
0x111: {  	s29 =	simm.s32 $0x2C0;
	s28 =	simm.s32 $0x14380;
	s26 =	simm.s32 $0x280  }
.Ltmp4:
0x112: {  	s25 =	simm.s32 $0x12380;
	s24 =	simm.s32 $0x240;
	(pc) =	sbr.rel .LBB2_6-.Ltmp4, $4  }
0x113: {  	s23 =	simm.s32 $0x10380;
	s22 =	simm.s32 $0x200;
	s21 =	simm.s32 $0xE380  }
0x114: {  	s20 =	simm.s32 $0x1C0;
	s19 =	simm.s32 $0x180;
	s18 =	simm.s32 $0xA380  }
0x115: {  	s17 =	simm.s32 $0x140;
	s16 =	simm.s32 $0x8380;
	s15 =	simm.s32 $0x100  }
0x116: {  	s14 =	simm.s32 $0x6380;
	s13 =	simm.s32 $0xC0;
	s12 =	simm.s32 $0x4380  }
.Lfunc_end2:
_tile_overlayer_lowered:
.L_overlay_start_2:
0x117: {  	(tag) =	ssettag $0x2  }
0x118: {  	s0 =	rddreg [dreg:$0x0];
	s2 =	stileid.u32  }
0x119: {  	s1 =	rddreg [dreg:$0x1];
	p0 =	sne.s32 s2, $0x0  }
0x11a: {  	s3 =	rddreg [dreg:$0x2];
	[bflag:$0x3] =	sbarrier.arrive $0xFFFF;
	s2 =	simm.s32 @!p0 $0x1C04  }
0x11b: {  	[timem:s3], [sflag:s2] =	dma.local @!p0 [hbm:s0], s1  }
0x11c: {  	s0 =	simm.s32 @!p0 $0x4  }
0x11d: {  	_ =	swait.ge @!p0 [sflag:s0], s1  }
0x11e: {  	s1 =	ssub.s32 @!p0 $0x0, s1;
	[sflag:s0] =	ssyncset.done @!p0 $0x0  }
0x11f: {  	[sflag:s0] =	ssyncadd.s32 @!p0 s1  }
0x120: {  	[bflag:$0x3] =	sbarrier.arrive $0xFFFF  }
0x121: {  	_ =	shalt  }

</sc_bundles>
